<compile_context>
chip_gen: v7x
topology: tpu7x:2x2x1
jax: 0.10.2.dev20260603
libtpu: 0.0.44.dev20260713+nightly
codegen_flags: <defaults>
</compile_context>

<pallas_src>
import functools

import jax
import jax.numpy as jnp
from jax import lax
from jax.experimental import pallas as pl
from jax.experimental.pallas import tpu as pltpu
from jax.experimental.pallas import tpu_sc as plsc

F = 26
D = 16
B = 16384
IN_DIM = F * D
P_DIM = 512
FP = 32
R = B * F
R2 = B * FP

NC = 2
NS = 16
NW = NC * NS
GSZ = 128
KG = 8
STEP = KG * GSZ
E_PER_W = R2 // NW
E_STEPS = E_PER_W // STEP
B_PER_W = R // NW
B_STEPS = B_PER_W // STEP


def _sc_gather(permidx2, feat2, emb_table, bias_flat):
    mesh = plsc.VectorSubcoreMesh(core_axis_name="c", subcore_axis_name="s")

    @functools.partial(
        pl.kernel,
        mesh=mesh,
        compiler_params=pltpu.CompilerParams(use_tc_tiling_on_sc=False),
        out_type=[
            jax.ShapeDtypeStruct((R2, D), jnp.float32),
            jax.ShapeDtypeStruct((R,), jnp.float32),
        ],
        scratch_types=[
            pltpu.VMEM((KG, GSZ), jnp.int32),
            pltpu.VMEM((STEP, D), jnp.float32),
            pltpu.VMEM((STEP,), jnp.float32),
            pltpu.SemaphoreType.DMA,
        ],
    )
    def k(perm_hbm, feat_hbm, emb_hbm, bias_hbm, rows_out, bias_out,
          idx_v, rows_v, brows_v, sem):
        wid = lax.axis_index("s") * NC + lax.axis_index("c")

        erow_base = wid * E_PER_W
        eblk_base = wid * (E_PER_W // GSZ)

        def ebody(g, carry):
            pltpu.sync_copy(perm_hbm.at[pl.ds(eblk_base + g * KG, KG)], idx_v)
            waits = []
            for j in range(KG):
                waits.append(pltpu.async_copy(
                    emb_hbm.at[idx_v.at[j]],
                    rows_v.at[pl.ds(j * GSZ, GSZ)], sem))
            for w in waits:
                w.wait()
            pltpu.sync_copy(rows_v, rows_out.at[pl.ds(erow_base + g * STEP, STEP)])
            return carry

        lax.fori_loop(0, E_STEPS, ebody, 0)

        brow_base = wid * B_PER_W
        bblk_base = wid * (B_PER_W // GSZ)

        def bbody(g, carry):
            pltpu.sync_copy(feat_hbm.at[pl.ds(bblk_base + g * KG, KG)], idx_v)
            waits = []
            for j in range(KG):
                waits.append(pltpu.async_copy(
                    bias_hbm.at[idx_v.at[j]],
                    brows_v.at[pl.ds(j * GSZ, GSZ)], sem))
            for w in waits:
                w.wait()
            pltpu.sync_copy(brows_v, bias_out.at[pl.ds(brow_base + g * STEP, STEP)])
            return carry

        lax.fori_loop(0, B_STEPS, bbody, 0)

    return k(permidx2, feat2, emb_table, bias_flat)


def _tc_body(raw0, raw1, raw2, raw3, fv_ref, bg_ref, e_ref, s_ref, w1_ref,
             b1_ref, w2_ref, b2_ref, wp2_ref, wp0_ref, wp1_ref, bp_ref, out_ref):
    fv = fv_ref[...]
    fve = jnp.dot(fv, e_ref[...], preferred_element_type=jnp.float32)
    scaled = jnp.concatenate(
        [raw0[...] * fve[:, 0:128],
         raw1[...] * fve[:, 128:256],
         raw2[...] * fve[:, 256:384],
         raw3[...] * fve[:, 384:512]], axis=1)
    s = jnp.dot(scaled, s_ref[...], preferred_element_type=jnp.float32)
    second = 0.5 * (jnp.sum(s * s, axis=1, keepdims=True)
                    - jnp.sum(scaled * scaled, axis=1, keepdims=True))
    first = jnp.sum(bg_ref[...] * fv, axis=1, keepdims=True)
    h = jnp.maximum(jnp.dot(scaled, w1_ref[...], precision=lax.Precision.DEFAULT,
                            preferred_element_type=jnp.float32) + b1_ref[...], 0.0)
    y = jnp.maximum(jnp.dot(h, w2_ref[...], precision=lax.Precision.DEFAULT,
                            preferred_element_type=jnp.float32) + b2_ref[...], 0.0)
    o = (jnp.dot(y, wp2_ref[...], preferred_element_type=jnp.float32)
         + first * wp0_ref[0, 0] + second * wp1_ref[0, 0] + bp_ref[0, 0])
    out_ref[...] = o


def _tc_compute(raw4, fv, biasg, E, S, W1P, b1P, W2P, b2P, Wp2P, wp0, wp1, bp):
    bm = 512
    nb = B // bm
    grid = (nb,)
    fixed = lambda i: (0, 0)

    def chunk_spec(c):
        return pl.BlockSpec((bm, 128), lambda i, c=c: (i, c))

    return pl.pallas_call(
        _tc_body,
        grid=grid,
        in_specs=[
            chunk_spec(0), chunk_spec(1), chunk_spec(2), chunk_spec(3),
            pl.BlockSpec((bm, F), lambda i: (i, 0)),
            pl.BlockSpec((bm, F), lambda i: (i, 0)),
            pl.BlockSpec((F, P_DIM), fixed),
            pl.BlockSpec((P_DIM, D), fixed),
            pl.BlockSpec((P_DIM, P_DIM), fixed),
            pl.BlockSpec((1, P_DIM), fixed),
            pl.BlockSpec((P_DIM, P_DIM), fixed),
            pl.BlockSpec((1, P_DIM), fixed),
            pl.BlockSpec((P_DIM, 1), fixed),
            pl.BlockSpec((1, 1), fixed),
            pl.BlockSpec((1, 1), fixed),
            pl.BlockSpec((1, 1), fixed),
        ],
        out_specs=pl.BlockSpec((bm, 1), lambda i: (i, 0)),
        out_shape=jax.ShapeDtypeStruct((B, 1), jnp.float32),
    )(raw4, raw4, raw4, raw4, fv, biasg, E, S, W1P, b1P, W2P,
      b2P, Wp2P, wp0, wp1, bp)


def kernel(features, feature_values, emb_table, bias_table, W1, b1, W2, b2, Wp, bp):
    featp = jnp.pad(features, ((0, 0), (0, FP - F)), mode="edge")
    perm = featp.reshape(-1)
    permidx2 = perm.reshape(R2 // GSZ, GSZ)
    feat2 = features.reshape(R // GSZ, GSZ)

    raw, biasg = _sc_gather(permidx2, feat2, emb_table, bias_table.reshape(-1))
    raw4 = raw.reshape(B, FP * D)
    biasg = biasg.reshape(B, F)

    lanes = jnp.arange(P_DIM)
    E = ((lanes[None, :] // D) == jnp.arange(F)[:, None]).astype(jnp.float32)
    S = (((lanes[:, None] % D) == jnp.arange(D)[None, :])
         & (lanes[:, None] < IN_DIM)).astype(jnp.float32)

    W1P = jnp.zeros((P_DIM, P_DIM), jnp.float32).at[:IN_DIM, :IN_DIM].set(W1)
    W2P = jnp.zeros((P_DIM, P_DIM), jnp.float32).at[:IN_DIM, :IN_DIM].set(W2)
    b1P = jnp.zeros((1, P_DIM), jnp.float32).at[:, :IN_DIM].set(b1[None, :])
    b2P = jnp.zeros((1, P_DIM), jnp.float32).at[:, :IN_DIM].set(b2[None, :])
    Wp2P = jnp.zeros((P_DIM, 1), jnp.float32).at[:IN_DIM].set(Wp[2:])

    out = _tc_compute(raw4, feature_values, biasg, E, S, W1P, b1P, W2P, b2P,
                      Wp2P, Wp[0:1], Wp[1:2], bp.reshape(1, 1))
    return out.reshape(-1)

# --- scband reference (transcript-rebuilt; emitter-appended) ---
"""Pipeline reference for scband-deep-fm-26938034880861 (READ-ONLY COPY).

The authoritative reference and input builder live on the scoring server;
editing this copy changes nothing except your own understanding.
"""

import jax, jax.numpy as jnp
import numpy as np

FEATURE_SIZE = 1000000
FIELD_SIZE = 26
EMBED_DIM = 16
BATCH = 16384
IN_DIM = FIELD_SIZE * EMBED_DIM  # 416
HIDDEN = [416, 416]


def setup_inputs(seed: int = 0) -> dict:
    key = jax.random.key(seed)
    ks = jax.random.split(key, 10)
    features = jax.random.randint(ks[0], (BATCH, FIELD_SIZE), 0, FEATURE_SIZE, dtype=jnp.int64 if jax.config.jax_enable_x64 else jnp.int32)
    feature_values = jax.random.uniform(ks[1], (BATCH, FIELD_SIZE), dtype=jnp.float32)
    emb_table = jax.random.normal(ks[2], (FEATURE_SIZE, EMBED_DIM), dtype=jnp.float32) * 0.01
    bias_table = jax.random.uniform(ks[3], (FEATURE_SIZE, 1), dtype=jnp.float32)
    W1 = jax.random.normal(ks[4], (IN_DIM, HIDDEN[0]), dtype=jnp.float32) * (1.0 / np.sqrt(IN_DIM))
    b1 = jnp.zeros((HIDDEN[0],), jnp.float32)
    W2 = jax.random.normal(ks[5], (HIDDEN[0], HIDDEN[1]), dtype=jnp.float32) * (1.0 / np.sqrt(HIDDEN[0]))
    b2 = jnp.zeros((HIDDEN[1],), jnp.float32)
    Wp = jax.random.normal(ks[6], (IN_DIM + 2, 1), dtype=jnp.float32) * (1.0 / np.sqrt(IN_DIM + 2))
    bp = jnp.zeros((1,), jnp.float32)
    return {
        'features': features,
        'feature_values': feature_values,
        'emb_table': emb_table,
        'bias_table': bias_table,
        'W1': W1, 'b1': b1, 'W2': W2, 'b2': b2, 'Wp': Wp, 'bp': bp,
    }


def reference(features, feature_values, emb_table, bias_table, W1, b1, W2, b2, Wp, bp):
    # Embedding lookups (gather)
    feature_embeddings = jnp.take(emb_table, features, axis=0)          # [B, F, D]
    fv = feature_values[:, :, None]                                      # [B, F, 1]
    feature_embeddings = feature_embeddings * fv                         # [B, F, D]
    feature_bias = jnp.take(bias_table, features, axis=0)                # [B, F, 1]
    # First-order term (dropout is identity in eval mode)
    first_order_bias = (feature_bias * fv).sum(axis=1)                   # [B, 1]
    # Second-order FM term
    sum_square_embed = jnp.square(feature_embeddings.sum(axis=1))        # [B, D]
    square_sum_embed = jnp.square(feature_embeddings).sum(axis=1)        # [B, D]
    second_order_bias = (0.5 * (sum_square_embed - square_sum_embed)).sum(axis=1)[:, None]  # [B, 1]
    # Deep component (MLP with relu, batch_norm=False, dropout identity)
    deep_input = feature_embeddings.reshape(-1, IN_DIM)                  # [B, F*D]
    h = jax.nn.relu(deep_input @ W1 + b1)
    y_deep = jax.nn.relu(h @ W2 + b2)                                    # [B, IN_DIM]
    concat_input = jnp.concatenate((first_order_bias, second_order_bias, y_deep), axis=1)  # [B, IN_DIM+2]
    out = concat_input @ Wp + bp                                         # [B, 1]
    return out.reshape(-1)

if __name__ == "__main__":
    import jax
    _d = setup_inputs()
    print(jax.jit(kernel)(*tuple(_d.values())))

</pallas_src>

<mosaic_0001>
#map = affine_map<(d0, d1) -> (0, 0)>
#map1 = affine_map<(d0, d1) -> (0)>
module attributes {stable_mosaic.version = 14 : i64} {
  func.func @k(%arg0: i32, %arg1: i32, %arg2: memref<4096x128xi32, #tpu.memory_space<hbm>>, %arg3: memref<3328x128xi32, #tpu.memory_space<hbm>>, %arg4: memref<1000000x16xf32, #tpu.memory_space<hbm>>, %arg5: memref<1000000xf32, #tpu.memory_space<hbm>>, %arg6: memref<524288x16xf32, #tpu.memory_space<hbm>>, %arg7: memref<425984xf32, #tpu.memory_space<hbm>>, %arg8: memref<8x128xi32, #tpu.memory_space<vmem>>, %arg9: memref<1024x16xf32, #tpu.memory_space<vmem>>, %arg10: memref<1024xf32, #tpu.memory_space<vmem>>, %arg11: memref<!tpu.dma_semaphore, #tpu.memory_space<semaphore_mem>>) attributes {dimension_semantics = [#tpu.dimension_semantics<core_parallel>, #tpu.dimension_semantics<subcore_parallel>], iteration_bounds = array<i64: 2, 16>, scalar_prefetch = 0 : i64, scratch_operands = 4 : i64, tpu.core_type = #tpu.core_type<sc_vector_subcore>, window_params = [{transform_indices = #map}, {transform_indices = #map}, {transform_indices = #map}, {transform_indices = #map1}, {transform_indices = #map}, {transform_indices = #map1}]} {
    %mul3A = arith.constant 2 : i32
    %mul3A_0 = arith.muli %arg1, %mul3A : i32
    %add3A = arith.addi %mul3A_0, %arg0 : i32
    %mul3A_1 = arith.constant 16384 : i32
    %mul3A_2 = arith.muli %add3A, %mul3A_1 : i32
    %mul3A_3 = arith.constant 128 : i32
    %mul3A_4 = arith.muli %add3A, %mul3A_3 : i32
    %scan3A = arith.constant 0 : i32
    %scan3A_5 = arith.constant 0 : i32
    %scan3A_6 = arith.constant 16 : i32
    %scan3A_7 = arith.addi %scan3A_5, %scan3A_6 : i32
    %scan3A_8 = arith.constant 1 : i32
    scf.for %scan3A_20 = %scan3A_5 to %scan3A_7 step %scan3A_8  : i32 {
      %mul3A_21 = arith.constant 8 : i32
      %mul3A_22 = arith.muli %scan3A_20, %mul3A_21 : i32
      %add3A_23 = arith.addi %mul3A_4, %mul3A_22 : i32
      "tpu.region"() ({
        %run_scoped3A = tpu.sem_alloc : memref<!tpu.dma_semaphore, #tpu.memory_space<semaphore_mem>>
        %dma_start3A_185 = arith.constant 0 : i32
        %dma_start3A_186 = tpu.memref_slice %arg2[%add3A_23, %dma_start3A_185] : memref<4096x128xi32, #tpu.memory_space<hbm>> -> memref<8x128xi32, #tpu.memory_space<hbm>>
        %dma_start3A_187 = arith.constant 0 : i32
        %dma_start3A_188 = tpu.memref_slice %arg2[%add3A_23, %dma_start3A_187] : memref<4096x128xi32, #tpu.memory_space<hbm>> -> memref<8x128xi32, #tpu.memory_space<hbm>>
        tpu.enqueue_dma source(%dma_start3A_188 : memref<8x128xi32, #tpu.memory_space<hbm>>) target(%arg8 : memref<8x128xi32, #tpu.memory_space<vmem>>) target_semaphore(%run_scoped3A : memref<!tpu.dma_semaphore, #tpu.memory_space<semaphore_mem>>)
        %dma_wait3A_189 = arith.constant 0 : i32
        %dma_wait3A_190 = tpu.memref_slice %arg2[%add3A_23, %dma_wait3A_189] : memref<4096x128xi32, #tpu.memory_space<hbm>> -> memref<8x128xi32, #tpu.memory_space<hbm>>
        %dma_wait3A_191 = arith.constant 0 : i32
        %dma_wait3A_192 = tpu.memref_slice %arg2[%add3A_23, %dma_wait3A_191] : memref<4096x128xi32, #tpu.memory_space<hbm>> -> memref<8x128xi32, #tpu.memory_space<hbm>>
        tpu.wait_dma2 semaphore(%run_scoped3A : memref<!tpu.dma_semaphore, #tpu.memory_space<semaphore_mem>>) src(%dma_wait3A_192 : memref<8x128xi32, #tpu.memory_space<hbm>>) dst(%arg8 : memref<8x128xi32, #tpu.memory_space<vmem>>)
        tpu.yield
      }) : () -> ()
      %dma_start3A = arith.constant 0 : i32
      %dma_start3A_24 = arith.constant 0 : i32
      %dma_start3A_25 = arith.constant 0 : i32
      %dma_start3A_26 = tpu.memref_slice %arg9[%dma_start3A_24, %dma_start3A_25] : memref<1024x16xf32, #tpu.memory_space<vmem>> -> memref<128x16xf32, #tpu.memory_space<vmem>>
      %dma_start3A_27 = arith.constant 0 : i32
      %dma_start3A_28 = tpu.memref_slice %arg8[%dma_start3A, %dma_start3A_27] : memref<8x128xi32, #tpu.memory_space<vmem>> -> memref<1x128xi32, #tpu.memory_space<vmem>>
      %dma_start3A_29 = tpu.memref_squeeze %dma_start3A_28 : memref<1x128xi32, #tpu.memory_space<vmem>> -> memref<128xi32, #tpu.memory_space<vmem>>
      %dma_start3A_30 = arith.constant 0 : i32
      %dma_start3A_31 = arith.constant 0 : i32
      %dma_start3A_32 = tpu.memref_slice %arg4[%dma_start3A_30, %dma_start3A_31] : memref<1000000x16xf32, #tpu.memory_space<hbm>> -> memref<1000000x16xf32, #tpu.memory_space<hbm>>
      tpu.enqueue_indirect_dma source(%dma_start3A_32 : memref<1000000x16xf32, #tpu.memory_space<hbm>>) target(%dma_start3A_26 : memref<128x16xf32, #tpu.memory_space<vmem>>) offsets(%dma_start3A_29 : memref<128xi32, #tpu.memory_space<vmem>>) semaphore(%arg11 : memref<!tpu.dma_semaphore, #tpu.memory_space<semaphore_mem>>)
      %dma_start3A_33 = arith.constant 1 : i32
      %dma_start3A_34 = arith.constant 128 : i32
      %dma_start3A_35 = arith.constant 0 : i32
      %dma_start3A_36 = tpu.memref_slice %arg9[%dma_start3A_34, %dma_start3A_35] : memref<1024x16xf32, #tpu.memory_space<vmem>> -> memref<128x16xf32, #tpu.memory_space<vmem>>
      %dma_start3A_37 = arith.constant 0 : i32
      %dma_start3A_38 = tpu.memref_slice %arg8[%dma_start3A_33, %dma_start3A_37] : memref<8x128xi32, #tpu.memory_space<vmem>> -> memref<1x128xi32, #tpu.memory_space<vmem>>
      %dma_start3A_39 = tpu.memref_squeeze %dma_start3A_38 : memref<1x128xi32, #tpu.memory_space<vmem>> -> memref<128xi32, #tpu.memory_space<vmem>>
      %dma_start3A_40 = arith.constant 0 : i32
      %dma_start3A_41 = arith.constant 0 : i32
      %dma_start3A_42 = tpu.memref_slice %arg4[%dma_start3A_40, %dma_start3A_41] : memref<1000000x16xf32, #tpu.memory_space<hbm>> -> memref<1000000x16xf32, #tpu.memory_space<hbm>>
      tpu.enqueue_indirect_dma source(%dma_start3A_42 : memref<1000000x16xf32, #tpu.memory_space<hbm>>) target(%dma_start3A_36 : memref<128x16xf32, #tpu.memory_space<vmem>>) offsets(%dma_start3A_39 : memref<128xi32, #tpu.memory_space<vmem>>) semaphore(%arg11 : memref<!tpu.dma_semaphore, #tpu.memory_space<semaphore_mem>>)
      %dma_start3A_43 = arith.constant 2 : i32
      %dma_start3A_44 = arith.constant 256 : i32
      %dma_start3A_45 = arith.constant 0 : i32
      %dma_start3A_46 = tpu.memref_slice %arg9[%dma_start3A_44, %dma_start3A_45] : memref<1024x16xf32, #tpu.memory_space<vmem>> -> memref<128x16xf32, #tpu.memory_space<vmem>>
      %dma_start3A_47 = arith.constant 0 : i32
      %dma_start3A_48 = tpu.memref_slice %arg8[%dma_start3A_43, %dma_start3A_47] : memref<8x128xi32, #tpu.memory_space<vmem>> -> memref<1x128xi32, #tpu.memory_space<vmem>>
      %dma_start3A_49 = tpu.memref_squeeze %dma_start3A_48 : memref<1x128xi32, #tpu.memory_space<vmem>> -> memref<128xi32, #tpu.memory_space<vmem>>
      %dma_start3A_50 = arith.constant 0 : i32
      %dma_start3A_51 = arith.constant 0 : i32
      %dma_start3A_52 = tpu.memref_slice %arg4[%dma_start3A_50, %dma_start3A_51] : memref<1000000x16xf32, #tpu.memory_space<hbm>> -> memref<1000000x16xf32, #tpu.memory_space<hbm>>
      tpu.enqueue_indirect_dma source(%dma_start3A_52 : memref<1000000x16xf32, #tpu.memory_space<hbm>>) target(%dma_start3A_46 : memref<128x16xf32, #tpu.memory_space<vmem>>) offsets(%dma_start3A_49 : memref<128xi32, #tpu.memory_space<vmem>>) semaphore(%arg11 : memref<!tpu.dma_semaphore, #tpu.memory_space<semaphore_mem>>)
      %dma_start3A_53 = arith.constant 3 : i32
      %dma_start3A_54 = arith.constant 384 : i32
      %dma_start3A_55 = arith.constant 0 : i32
      %dma_start3A_56 = tpu.memref_slice %arg9[%dma_start3A_54, %dma_start3A_55] : memref<1024x16xf32, #tpu.memory_space<vmem>> -> memref<128x16xf32, #tpu.memory_space<vmem>>
      %dma_start3A_57 = arith.constant 0 : i32
      %dma_start3A_58 = tpu.memref_slice %arg8[%dma_start3A_53, %dma_start3A_57] : memref<8x128xi32, #tpu.memory_space<vmem>> -> memref<1x128xi32, #tpu.memory_space<vmem>>
      %dma_start3A_59 = tpu.memref_squeeze %dma_start3A_58 : memref<1x128xi32, #tpu.memory_space<vmem>> -> memref<128xi32, #tpu.memory_space<vmem>>
      %dma_start3A_60 = arith.constant 0 : i32
      %dma_start3A_61 = arith.constant 0 : i32
      %dma_start3A_62 = tpu.memref_slice %arg4[%dma_start3A_60, %dma_start3A_61] : memref<1000000x16xf32, #tpu.memory_space<hbm>> -> memref<1000000x16xf32, #tpu.memory_space<hbm>>
      tpu.enqueue_indirect_dma source(%dma_start3A_62 : memref<1000000x16xf32, #tpu.memory_space<hbm>>) target(%dma_start3A_56 : memref<128x16xf32, #tpu.memory_space<vmem>>) offsets(%dma_start3A_59 : memref<128xi32, #tpu.memory_space<vmem>>) semaphore(%arg11 : memref<!tpu.dma_semaphore, #tpu.memory_space<semaphore_mem>>)
      %dma_start3A_63 = arith.constant 4 : i32
      %dma_start3A_64 = arith.constant 512 : i32
      %dma_start3A_65 = arith.constant 0 : i32
      %dma_start3A_66 = tpu.memref_slice %arg9[%dma_start3A_64, %dma_start3A_65] : memref<1024x16xf32, #tpu.memory_space<vmem>> -> memref<128x16xf32, #tpu.memory_space<vmem>>
      %dma_start3A_67 = arith.constant 0 : i32
      %dma_start3A_68 = tpu.memref_slice %arg8[%dma_start3A_63, %dma_start3A_67] : memref<8x128xi32, #tpu.memory_space<vmem>> -> memref<1x128xi32, #tpu.memory_space<vmem>>
      %dma_start3A_69 = tpu.memref_squeeze %dma_start3A_68 : memref<1x128xi32, #tpu.memory_space<vmem>> -> memref<128xi32, #tpu.memory_space<vmem>>
      %dma_start3A_70 = arith.constant 0 : i32
      %dma_start3A_71 = arith.constant 0 : i32
      %dma_start3A_72 = tpu.memref_slice %arg4[%dma_start3A_70, %dma_start3A_71] : memref<1000000x16xf32, #tpu.memory_space<hbm>> -> memref<1000000x16xf32, #tpu.memory_space<hbm>>
      tpu.enqueue_indirect_dma source(%dma_start3A_72 : memref<1000000x16xf32, #tpu.memory_space<hbm>>) target(%dma_start3A_66 : memref<128x16xf32, #tpu.memory_space<vmem>>) offsets(%dma_start3A_69 : memref<128xi32, #tpu.memory_space<vmem>>) semaphore(%arg11 : memref<!tpu.dma_semaphore, #tpu.memory_space<semaphore_mem>>)
      %dma_start3A_73 = arith.constant 5 : i32
      %dma_start3A_74 = arith.constant 640 : i32
      %dma_start3A_75 = arith.constant 0 : i32
      %dma_start3A_76 = tpu.memref_slice %arg9[%dma_start3A_74, %dma_start3A_75] : memref<1024x16xf32, #tpu.memory_space<vmem>> -> memref<128x16xf32, #tpu.memory_space<vmem>>
      %dma_start3A_77 = arith.constant 0 : i32
      %dma_start3A_78 = tpu.memref_slice %arg8[%dma_start3A_73, %dma_start3A_77] : memref<8x128xi32, #tpu.memory_space<vmem>> -> memref<1x128xi32, #tpu.memory_space<vmem>>
      %dma_start3A_79 = tpu.memref_squeeze %dma_start3A_78 : memref<1x128xi32, #tpu.memory_space<vmem>> -> memref<128xi32, #tpu.memory_space<vmem>>
      %dma_start3A_80 = arith.constant 0 : i32
      %dma_start3A_81 = arith.constant 0 : i32
      %dma_start3A_82 = tpu.memref_slice %arg4[%dma_start3A_80, %dma_start3A_81] : memref<1000000x16xf32, #tpu.memory_space<hbm>> -> memref<1000000x16xf32, #tpu.memory_space<hbm>>
      tpu.enqueue_indirect_dma source(%dma_start3A_82 : memref<1000000x16xf32, #tpu.memory_space<hbm>>) target(%dma_start3A_76 : memref<128x16xf32, #tpu.memory_space<vmem>>) offsets(%dma_start3A_79 : memref<128xi32, #tpu.memory_space<vmem>>) semaphore(%arg11 : memref<!tpu.dma_semaphore, #tpu.memory_space<semaphore_mem>>)
      %dma_start3A_83 = arith.constant 6 : i32
      %dma_start3A_84 = arith.constant 768 : i32
      %dma_start3A_85 = arith.constant 0 : i32
      %dma_start3A_86 = tpu.memref_slice %arg9[%dma_start3A_84, %dma_start3A_85] : memref<1024x16xf32, #tpu.memory_space<vmem>> -> memref<128x16xf32, #tpu.memory_space<vmem>>
      %dma_start3A_87 = arith.constant 0 : i32
      %dma_start3A_88 = tpu.memref_slice %arg8[%dma_start3A_83, %dma_start3A_87] : memref<8x128xi32, #tpu.memory_space<vmem>> -> memref<1x128xi32, #tpu.memory_space<vmem>>
      %dma_start3A_89 = tpu.memref_squeeze %dma_start3A_88 : memref<1x128xi32, #tpu.memory_space<vmem>> -> memref<128xi32, #tpu.memory_space<vmem>>
      %dma_start3A_90 = arith.constant 0 : i32
      %dma_start3A_91 = arith.constant 0 : i32
      %dma_start3A_92 = tpu.memref_slice %arg4[%dma_start3A_90, %dma_start3A_91] : memref<1000000x16xf32, #tpu.memory_space<hbm>> -> memref<1000000x16xf32, #tpu.memory_space<hbm>>
      tpu.enqueue_indirect_dma source(%dma_start3A_92 : memref<1000000x16xf32, #tpu.memory_space<hbm>>) target(%dma_start3A_86 : memref<128x16xf32, #tpu.memory_space<vmem>>) offsets(%dma_start3A_89 : memref<128xi32, #tpu.memory_space<vmem>>) semaphore(%arg11 : memref<!tpu.dma_semaphore, #tpu.memory_space<semaphore_mem>>)
      %dma_start3A_93 = arith.constant 7 : i32
      %dma_start3A_94 = arith.constant 896 : i32
      %dma_start3A_95 = arith.constant 0 : i32
      %dma_start3A_96 = tpu.memref_slice %arg9[%dma_start3A_94, %dma_start3A_95] : memref<1024x16xf32, #tpu.memory_space<vmem>> -> memref<128x16xf32, #tpu.memory_space<vmem>>
      %dma_start3A_97 = arith.constant 0 : i32
      %dma_start3A_98 = tpu.memref_slice %arg8[%dma_start3A_93, %dma_start3A_97] : memref<8x128xi32, #tpu.memory_space<vmem>> -> memref<1x128xi32, #tpu.memory_space<vmem>>
      %dma_start3A_99 = tpu.memref_squeeze %dma_start3A_98 : memref<1x128xi32, #tpu.memory_space<vmem>> -> memref<128xi32, #tpu.memory_space<vmem>>
      %dma_start3A_100 = arith.constant 0 : i32
      %dma_start3A_101 = arith.constant 0 : i32
      %dma_start3A_102 = tpu.memref_slice %arg4[%dma_start3A_100, %dma_start3A_101] : memref<1000000x16xf32, #tpu.memory_space<hbm>> -> memref<1000000x16xf32, #tpu.memory_space<hbm>>
      tpu.enqueue_indirect_dma source(%dma_start3A_102 : memref<1000000x16xf32, #tpu.memory_space<hbm>>) target(%dma_start3A_96 : memref<128x16xf32, #tpu.memory_space<vmem>>) offsets(%dma_start3A_99 : memref<128xi32, #tpu.memory_space<vmem>>) semaphore(%arg11 : memref<!tpu.dma_semaphore, #tpu.memory_space<semaphore_mem>>)
      %dma_wait3A = arith.constant 0 : i32
      %dma_wait3A_103 = arith.constant 0 : i32
      %dma_wait3A_104 = arith.constant 0 : i32
      %dma_wait3A_105 = tpu.memref_slice %arg9[%dma_wait3A_103, %dma_wait3A_104] : memref<1024x16xf32, #tpu.memory_space<vmem>> -> memref<128x16xf32, #tpu.memory_space<vmem>>
      %dma_wait3A_106 = arith.constant 0 : i32
      %dma_wait3A_107 = tpu.memref_slice %arg8[%dma_wait3A, %dma_wait3A_106] : memref<8x128xi32, #tpu.memory_space<vmem>> -> memref<1x128xi32, #tpu.memory_space<vmem>>
      %dma_wait3A_108 = tpu.memref_squeeze %dma_wait3A_107 : memref<1x128xi32, #tpu.memory_space<vmem>> -> memref<128xi32, #tpu.memory_space<vmem>>
      %dma_wait3A_109 = arith.constant 0 : i32
      %dma_wait3A_110 = arith.constant 0 : i32
      %dma_wait3A_111 = tpu.memref_slice %arg4[%dma_wait3A_109, %dma_wait3A_110] : memref<1000000x16xf32, #tpu.memory_space<hbm>> -> memref<1000000x16xf32, #tpu.memory_space<hbm>>
      tpu.wait_indirect_dma semaphore(%arg11 : memref<!tpu.dma_semaphore, #tpu.memory_space<semaphore_mem>>) src(%dma_wait3A_111 : memref<1000000x16xf32, #tpu.memory_space<hbm>>) dst(%dma_wait3A_105 : memref<128x16xf32, #tpu.memory_space<vmem>>)
      %dma_wait3A_112 = arith.constant 1 : i32
      %dma_wait3A_113 = arith.constant 128 : i32
      %dma_wait3A_114 = arith.constant 0 : i32
      %dma_wait3A_115 = tpu.memref_slice %arg9[%dma_wait3A_113, %dma_wait3A_114] : memref<1024x16xf32, #tpu.memory_space<vmem>> -> memref<128x16xf32, #tpu.memory_space<vmem>>
      %dma_wait3A_116 = arith.constant 0 : i32
      %dma_wait3A_117 = tpu.memref_slice %arg8[%dma_wait3A_112, %dma_wait3A_116] : memref<8x128xi32, #tpu.memory_space<vmem>> -> memref<1x128xi32, #tpu.memory_space<vmem>>
      %dma_wait3A_118 = tpu.memref_squeeze %dma_wait3A_117 : memref<1x128xi32, #tpu.memory_space<vmem>> -> memref<128xi32, #tpu.memory_space<vmem>>
      %dma_wait3A_119 = arith.constant 0 : i32
      %dma_wait3A_120 = arith.constant 0 : i32
      %dma_wait3A_121 = tpu.memref_slice %arg4[%dma_wait3A_119, %dma_wait3A_120] : memref<1000000x16xf32, #tpu.memory_space<hbm>> -> memref<1000000x16xf32, #tpu.memory_space<hbm>>
      tpu.wait_indirect_dma semaphore(%arg11 : memref<!tpu.dma_semaphore, #tpu.memory_space<semaphore_mem>>) src(%dma_wait3A_121 : memref<1000000x16xf32, #tpu.memory_space<hbm>>) dst(%dma_wait3A_115 : memref<128x16xf32, #tpu.memory_space<vmem>>)
      %dma_wait3A_122 = arith.constant 2 : i32
      %dma_wait3A_123 = arith.constant 256 : i32
      %dma_wait3A_124 = arith.constant 0 : i32
      %dma_wait3A_125 = tpu.memref_slice %arg9[%dma_wait3A_123, %dma_wait3A_124] : memref<1024x16xf32, #tpu.memory_space<vmem>> -> memref<128x16xf32, #tpu.memory_space<vmem>>
      %dma_wait3A_126 = arith.constant 0 : i32
      %dma_wait3A_127 = tpu.memref_slice %arg8[%dma_wait3A_122, %dma_wait3A_126] : memref<8x128xi32, #tpu.memory_space<vmem>> -> memref<1x128xi32, #tpu.memory_space<vmem>>
      %dma_wait3A_128 = tpu.memref_squeeze %dma_wait3A_127 : memref<1x128xi32, #tpu.memory_space<vmem>> -> memref<128xi32, #tpu.memory_space<vmem>>
      %dma_wait3A_129 = arith.constant 0 : i32
      %dma_wait3A_130 = arith.constant 0 : i32
      %dma_wait3A_131 = tpu.memref_slice %arg4[%dma_wait3A_129, %dma_wait3A_130] : memref<1000000x16xf32, #tpu.memory_space<hbm>> -> memref<1000000x16xf32, #tpu.memory_space<hbm>>
      tpu.wait_indirect_dma semaphore(%arg11 : memref<!tpu.dma_semaphore, #tpu.memory_space<semaphore_mem>>) src(%dma_wait3A_131 : memref<1000000x16xf32, #tpu.memory_space<hbm>>) dst(%dma_wait3A_125 : memref<128x16xf32, #tpu.memory_space<vmem>>)
      %dma_wait3A_132 = arith.constant 3 : i32
      %dma_wait3A_133 = arith.constant 384 : i32
      %dma_wait3A_134 = arith.constant 0 : i32
      %dma_wait3A_135 = tpu.memref_slice %arg9[%dma_wait3A_133, %dma_wait3A_134] : memref<1024x16xf32, #tpu.memory_space<vmem>> -> memref<128x16xf32, #tpu.memory_space<vmem>>
      %dma_wait3A_136 = arith.constant 0 : i32
      %dma_wait3A_137 = tpu.memref_slice %arg8[%dma_wait3A_132, %dma_wait3A_136] : memref<8x128xi32, #tpu.memory_space<vmem>> -> memref<1x128xi32, #tpu.memory_space<vmem>>
      %dma_wait3A_138 = tpu.memref_squeeze %dma_wait3A_137 : memref<1x128xi32, #tpu.memory_space<vmem>> -> memref<128xi32, #tpu.memory_space<vmem>>
      %dma_wait3A_139 = arith.constant 0 : i32
      %dma_wait3A_140 = arith.constant 0 : i32
      %dma_wait3A_141 = tpu.memref_slice %arg4[%dma_wait3A_139, %dma_wait3A_140] : memref<1000000x16xf32, #tpu.memory_space<hbm>> -> memref<1000000x16xf32, #tpu.memory_space<hbm>>
      tpu.wait_indirect_dma semaphore(%arg11 : memref<!tpu.dma_semaphore, #tpu.memory_space<semaphore_mem>>) src(%dma_wait3A_141 : memref<1000000x16xf32, #tpu.memory_space<hbm>>) dst(%dma_wait3A_135 : memref<128x16xf32, #tpu.memory_space<vmem>>)
      %dma_wait3A_142 = arith.constant 4 : i32
      %dma_wait3A_143 = arith.constant 512 : i32
      %dma_wait3A_144 = arith.constant 0 : i32
      %dma_wait3A_145 = tpu.memref_slice %arg9[%dma_wait3A_143, %dma_wait3A_144] : memref<1024x16xf32, #tpu.memory_space<vmem>> -> memref<128x16xf32, #tpu.memory_space<vmem>>
      %dma_wait3A_146 = arith.constant 0 : i32
      %dma_wait3A_147 = tpu.memref_slice %arg8[%dma_wait3A_142, %dma_wait3A_146] : memref<8x128xi32, #tpu.memory_space<vmem>> -> memref<1x128xi32, #tpu.memory_space<vmem>>
      %dma_wait3A_148 = tpu.memref_squeeze %dma_wait3A_147 : memref<1x128xi32, #tpu.memory_space<vmem>> -> memref<128xi32, #tpu.memory_space<vmem>>
      %dma_wait3A_149 = arith.constant 0 : i32
      %dma_wait3A_150 = arith.constant 0 : i32
      %dma_wait3A_151 = tpu.memref_slice %arg4[%dma_wait3A_149, %dma_wait3A_150] : memref<1000000x16xf32, #tpu.memory_space<hbm>> -> memref<1000000x16xf32, #tpu.memory_space<hbm>>
      tpu.wait_indirect_dma semaphore(%arg11 : memref<!tpu.dma_semaphore, #tpu.memory_space<semaphore_mem>>) src(%dma_wait3A_151 : memref<1000000x16xf32, #tpu.memory_space<hbm>>) dst(%dma_wait3A_145 : memref<128x16xf32, #tpu.memory_space<vmem>>)
      %dma_wait3A_152 = arith.constant 5 : i32
      %dma_wait3A_153 = arith.constant 640 : i32
      %dma_wait3A_154 = arith.constant 0 : i32
      %dma_wait3A_155 = tpu.memref_slice %arg9[%dma_wait3A_153, %dma_wait3A_154] : memref<1024x16xf32, #tpu.memory_space<vmem>> -> memref<128x16xf32, #tpu.memory_space<vmem>>
      %dma_wait3A_156 = arith.constant 0 : i32
      %dma_wait3A_157 = tpu.memref_slice %arg8[%dma_wait3A_152, %dma_wait3A_156] : memref<8x128xi32, #tpu.memory_space<vmem>> -> memref<1x128xi32, #tpu.memory_space<vmem>>
      %dma_wait3A_158 = tpu.memref_squeeze %dma_wait3A_157 : memref<1x128xi32, #tpu.memory_space<vmem>> -> memref<128xi32, #tpu.memory_space<vmem>>
      %dma_wait3A_159 = arith.constant 0 : i32
      %dma_wait3A_160 = arith.constant 0 : i32
      %dma_wait3A_161 = tpu.memref_slice %arg4[%dma_wait3A_159, %dma_wait3A_160] : memref<1000000x16xf32, #tpu.memory_space<hbm>> -> memref<1000000x16xf32, #tpu.memory_space<hbm>>
      tpu.wait_indirect_dma semaphore(%arg11 : memref<!tpu.dma_semaphore, #tpu.memory_space<semaphore_mem>>) src(%dma_wait3A_161 : memref<1000000x16xf32, #tpu.memory_space<hbm>>) dst(%dma_wait3A_155 : memref<128x16xf32, #tpu.memory_space<vmem>>)
      %dma_wait3A_162 = arith.constant 6 : i32
      %dma_wait3A_163 = arith.constant 768 : i32
      %dma_wait3A_164 = arith.constant 0 : i32
      %dma_wait3A_165 = tpu.memref_slice %arg9[%dma_wait3A_163, %dma_wait3A_164] : memref<1024x16xf32, #tpu.memory_space<vmem>> -> memref<128x16xf32, #tpu.memory_space<vmem>>
      %dma_wait3A_166 = arith.constant 0 : i32
      %dma_wait3A_167 = tpu.memref_slice %arg8[%dma_wait3A_162, %dma_wait3A_166] : memref<8x128xi32, #tpu.memory_space<vmem>> -> memref<1x128xi32, #tpu.memory_space<vmem>>
      %dma_wait3A_168 = tpu.memref_squeeze %dma_wait3A_167 : memref<1x128xi32, #tpu.memory_space<vmem>> -> memref<128xi32, #tpu.memory_space<vmem>>
      %dma_wait3A_169 = arith.constant 0 : i32
      %dma_wait3A_170 = arith.constant 0 : i32
      %dma_wait3A_171 = tpu.memref_slice %arg4[%dma_wait3A_169, %dma_wait3A_170] : memref<1000000x16xf32, #tpu.memory_space<hbm>> -> memref<1000000x16xf32, #tpu.memory_space<hbm>>
      tpu.wait_indirect_dma semaphore(%arg11 : memref<!tpu.dma_semaphore, #tpu.memory_space<semaphore_mem>>) src(%dma_wait3A_171 : memref<1000000x16xf32, #tpu.memory_space<hbm>>) dst(%dma_wait3A_165 : memref<128x16xf32, #tpu.memory_space<vmem>>)
      %dma_wait3A_172 = arith.constant 7 : i32
      %dma_wait3A_173 = arith.constant 896 : i32
      %dma_wait3A_174 = arith.constant 0 : i32
      %dma_wait3A_175 = tpu.memref_slice %arg9[%dma_wait3A_173, %dma_wait3A_174] : memref<1024x16xf32, #tpu.memory_space<vmem>> -> memref<128x16xf32, #tpu.memory_space<vmem>>
      %dma_wait3A_176 = arith.constant 0 : i32
      %dma_wait3A_177 = tpu.memref_slice %arg8[%dma_wait3A_172, %dma_wait3A_176] : memref<8x128xi32, #tpu.memory_space<vmem>> -> memref<1x128xi32, #tpu.memory_space<vmem>>
      %dma_wait3A_178 = tpu.memref_squeeze %dma_wait3A_177 : memref<1x128xi32, #tpu.memory_space<vmem>> -> memref<128xi32, #tpu.memory_space<vmem>>
      %dma_wait3A_179 = arith.constant 0 : i32
      %dma_wait3A_180 = arith.constant 0 : i32
      %dma_wait3A_181 = tpu.memref_slice %arg4[%dma_wait3A_179, %dma_wait3A_180] : memref<1000000x16xf32, #tpu.memory_space<hbm>> -> memref<1000000x16xf32, #tpu.memory_space<hbm>>
      tpu.wait_indirect_dma semaphore(%arg11 : memref<!tpu.dma_semaphore, #tpu.memory_space<semaphore_mem>>) src(%dma_wait3A_181 : memref<1000000x16xf32, #tpu.memory_space<hbm>>) dst(%dma_wait3A_175 : memref<128x16xf32, #tpu.memory_space<vmem>>)
      %mul3A_182 = arith.constant 1024 : i32
      %mul3A_183 = arith.muli %scan3A_20, %mul3A_182 : i32
      %add3A_184 = arith.addi %mul3A_2, %mul3A_183 : i32
      "tpu.region"() ({
        %run_scoped3A = tpu.sem_alloc : memref<!tpu.dma_semaphore, #tpu.memory_space<semaphore_mem>>
        %dma_start3A_185 = arith.constant 0 : i32
        %dma_start3A_186 = tpu.memref_slice %arg6[%add3A_184, %dma_start3A_185] : memref<524288x16xf32, #tpu.memory_space<hbm>> -> memref<1024x16xf32, #tpu.memory_space<hbm>>
        %dma_start3A_187 = arith.constant 0 : i32
        %dma_start3A_188 = tpu.memref_slice %arg6[%add3A_184, %dma_start3A_187] : memref<524288x16xf32, #tpu.memory_space<hbm>> -> memref<1024x16xf32, #tpu.memory_space<hbm>>
        tpu.enqueue_dma source(%arg9 : memref<1024x16xf32, #tpu.memory_space<vmem>>) target(%dma_start3A_188 : memref<1024x16xf32, #tpu.memory_space<hbm>>) target_semaphore(%run_scoped3A : memref<!tpu.dma_semaphore, #tpu.memory_space<semaphore_mem>>)
        %dma_wait3A_189 = arith.constant 0 : i32
        %dma_wait3A_190 = tpu.memref_slice %arg6[%add3A_184, %dma_wait3A_189] : memref<524288x16xf32, #tpu.memory_space<hbm>> -> memref<1024x16xf32, #tpu.memory_space<hbm>>
        %dma_wait3A_191 = arith.constant 0 : i32
        %dma_wait3A_192 = tpu.memref_slice %arg6[%add3A_184, %dma_wait3A_191] : memref<524288x16xf32, #tpu.memory_space<hbm>> -> memref<1024x16xf32, #tpu.memory_space<hbm>>
        tpu.wait_dma2 semaphore(%run_scoped3A : memref<!tpu.dma_semaphore, #tpu.memory_space<semaphore_mem>>) src(%arg9 : memref<1024x16xf32, #tpu.memory_space<vmem>>) dst(%dma_wait3A_192 : memref<1024x16xf32, #tpu.memory_space<hbm>>)
        tpu.yield
      }) : () -> ()
    }
    %scan3A_9 = arith.constant 16 : i32
    %mul3A_10 = arith.constant 13312 : i32
    %mul3A_11 = arith.muli %add3A, %mul3A_10 : i32
    %mul3A_12 = arith.constant 104 : i32
    %mul3A_13 = arith.muli %add3A, %mul3A_12 : i32
    %scan3A_14 = arith.constant 0 : i32
    %scan3A_15 = arith.constant 0 : i32
    %scan3A_16 = arith.constant 13 : i32
    %scan3A_17 = arith.addi %scan3A_15, %scan3A_16 : i32
    %scan3A_18 = arith.constant 1 : i32
    scf.for %scan3A_20 = %scan3A_15 to %scan3A_17 step %scan3A_18  : i32 {
      %mul3A_21 = arith.constant 8 : i32
      %mul3A_22 = arith.muli %scan3A_20, %mul3A_21 : i32
      %add3A_23 = arith.addi %mul3A_13, %mul3A_22 : i32
      "tpu.region"() ({
        %run_scoped3A = tpu.sem_alloc : memref<!tpu.dma_semaphore, #tpu.memory_space<semaphore_mem>>
        %dma_start3A_153 = arith.constant 0 : i32
        %dma_start3A_154 = tpu.memref_slice %arg3[%add3A_23, %dma_start3A_153] : memref<3328x128xi32, #tpu.memory_space<hbm>> -> memref<8x128xi32, #tpu.memory_space<hbm>>
        %dma_start3A_155 = arith.constant 0 : i32
        %dma_start3A_156 = tpu.memref_slice %arg3[%add3A_23, %dma_start3A_155] : memref<3328x128xi32, #tpu.memory_space<hbm>> -> memref<8x128xi32, #tpu.memory_space<hbm>>
        tpu.enqueue_dma source(%dma_start3A_156 : memref<8x128xi32, #tpu.memory_space<hbm>>) target(%arg8 : memref<8x128xi32, #tpu.memory_space<vmem>>) target_semaphore(%run_scoped3A : memref<!tpu.dma_semaphore, #tpu.memory_space<semaphore_mem>>)
        %dma_wait3A_157 = arith.constant 0 : i32
        %dma_wait3A_158 = tpu.memref_slice %arg3[%add3A_23, %dma_wait3A_157] : memref<3328x128xi32, #tpu.memory_space<hbm>> -> memref<8x128xi32, #tpu.memory_space<hbm>>
        %dma_wait3A_159 = arith.constant 0 : i32
        %dma_wait3A_160 = tpu.memref_slice %arg3[%add3A_23, %dma_wait3A_159] : memref<3328x128xi32, #tpu.memory_space<hbm>> -> memref<8x128xi32, #tpu.memory_space<hbm>>
        tpu.wait_dma2 semaphore(%run_scoped3A : memref<!tpu.dma_semaphore, #tpu.memory_space<semaphore_mem>>) src(%dma_wait3A_160 : memref<8x128xi32, #tpu.memory_space<hbm>>) dst(%arg8 : memref<8x128xi32, #tpu.memory_space<vmem>>)
        tpu.yield
      }) : () -> ()
      %dma_start3A = arith.constant 0 : i32
      %dma_start3A_24 = arith.constant 0 : i32
      %dma_start3A_25 = tpu.memref_slice %arg10[%dma_start3A_24] : memref<1024xf32, #tpu.memory_space<vmem>> -> memref<128xf32, #tpu.memory_space<vmem>>
      %dma_start3A_26 = arith.constant 0 : i32
      %dma_start3A_27 = tpu.memref_slice %arg8[%dma_start3A, %dma_start3A_26] : memref<8x128xi32, #tpu.memory_space<vmem>> -> memref<1x128xi32, #tpu.memory_space<vmem>>
      %dma_start3A_28 = tpu.memref_squeeze %dma_start3A_27 : memref<1x128xi32, #tpu.memory_space<vmem>> -> memref<128xi32, #tpu.memory_space<vmem>>
      %dma_start3A_29 = arith.constant 0 : i32
      %dma_start3A_30 = tpu.memref_slice %arg5[%dma_start3A_29] : memref<1000000xf32, #tpu.memory_space<hbm>> -> memref<1000000xf32, #tpu.memory_space<hbm>>
      tpu.enqueue_indirect_dma source(%dma_start3A_30 : memref<1000000xf32, #tpu.memory_space<hbm>>) target(%dma_start3A_25 : memref<128xf32, #tpu.memory_space<vmem>>) offsets(%dma_start3A_28 : memref<128xi32, #tpu.memory_space<vmem>>) semaphore(%arg11 : memref<!tpu.dma_semaphore, #tpu.memory_space<semaphore_mem>>)
      %dma_start3A_31 = arith.constant 1 : i32
      %dma_start3A_32 = arith.constant 128 : i32
      %dma_start3A_33 = tpu.memref_slice %arg10[%dma_start3A_32] : memref<1024xf32, #tpu.memory_space<vmem>> -> memref<128xf32, #tpu.memory_space<vmem>>
      %dma_start3A_34 = arith.constant 0 : i32
      %dma_start3A_35 = tpu.memref_slice %arg8[%dma_start3A_31, %dma_start3A_34] : memref<8x128xi32, #tpu.memory_space<vmem>> -> memref<1x128xi32, #tpu.memory_space<vmem>>
      %dma_start3A_36 = tpu.memref_squeeze %dma_start3A_35 : memref<1x128xi32, #tpu.memory_space<vmem>> -> memref<128xi32, #tpu.memory_space<vmem>>
      %dma_start3A_37 = arith.constant 0 : i32
      %dma_start3A_38 = tpu.memref_slice %arg5[%dma_start3A_37] : memref<1000000xf32, #tpu.memory_space<hbm>> -> memref<1000000xf32, #tpu.memory_space<hbm>>
      tpu.enqueue_indirect_dma source(%dma_start3A_38 : memref<1000000xf32, #tpu.memory_space<hbm>>) target(%dma_start3A_33 : memref<128xf32, #tpu.memory_space<vmem>>) offsets(%dma_start3A_36 : memref<128xi32, #tpu.memory_space<vmem>>) semaphore(%arg11 : memref<!tpu.dma_semaphore, #tpu.memory_space<semaphore_mem>>)
      %dma_start3A_39 = arith.constant 2 : i32
      %dma_start3A_40 = arith.constant 256 : i32
      %dma_start3A_41 = tpu.memref_slice %arg10[%dma_start3A_40] : memref<1024xf32, #tpu.memory_space<vmem>> -> memref<128xf32, #tpu.memory_space<vmem>>
      %dma_start3A_42 = arith.constant 0 : i32
      %dma_start3A_43 = tpu.memref_slice %arg8[%dma_start3A_39, %dma_start3A_42] : memref<8x128xi32, #tpu.memory_space<vmem>> -> memref<1x128xi32, #tpu.memory_space<vmem>>
      %dma_start3A_44 = tpu.memref_squeeze %dma_start3A_43 : memref<1x128xi32, #tpu.memory_space<vmem>> -> memref<128xi32, #tpu.memory_space<vmem>>
      %dma_start3A_45 = arith.constant 0 : i32
      %dma_start3A_46 = tpu.memref_slice %arg5[%dma_start3A_45] : memref<1000000xf32, #tpu.memory_space<hbm>> -> memref<1000000xf32, #tpu.memory_space<hbm>>
      tpu.enqueue_indirect_dma source(%dma_start3A_46 : memref<1000000xf32, #tpu.memory_space<hbm>>) target(%dma_start3A_41 : memref<128xf32, #tpu.memory_space<vmem>>) offsets(%dma_start3A_44 : memref<128xi32, #tpu.memory_space<vmem>>) semaphore(%arg11 : memref<!tpu.dma_semaphore, #tpu.memory_space<semaphore_mem>>)
      %dma_start3A_47 = arith.constant 3 : i32
      %dma_start3A_48 = arith.constant 384 : i32
      %dma_start3A_49 = tpu.memref_slice %arg10[%dma_start3A_48] : memref<1024xf32, #tpu.memory_space<vmem>> -> memref<128xf32, #tpu.memory_space<vmem>>
      %dma_start3A_50 = arith.constant 0 : i32
      %dma_start3A_51 = tpu.memref_slice %arg8[%dma_start3A_47, %dma_start3A_50] : memref<8x128xi32, #tpu.memory_space<vmem>> -> memref<1x128xi32, #tpu.memory_space<vmem>>
      %dma_start3A_52 = tpu.memref_squeeze %dma_start3A_51 : memref<1x128xi32, #tpu.memory_space<vmem>> -> memref<128xi32, #tpu.memory_space<vmem>>
      %dma_start3A_53 = arith.constant 0 : i32
      %dma_start3A_54 = tpu.memref_slice %arg5[%dma_start3A_53] : memref<1000000xf32, #tpu.memory_space<hbm>> -> memref<1000000xf32, #tpu.memory_space<hbm>>
      tpu.enqueue_indirect_dma source(%dma_start3A_54 : memref<1000000xf32, #tpu.memory_space<hbm>>) target(%dma_start3A_49 : memref<128xf32, #tpu.memory_space<vmem>>) offsets(%dma_start3A_52 : memref<128xi32, #tpu.memory_space<vmem>>) semaphore(%arg11 : memref<!tpu.dma_semaphore, #tpu.memory_space<semaphore_mem>>)
      %dma_start3A_55 = arith.constant 4 : i32
      %dma_start3A_56 = arith.constant 512 : i32
      %dma_start3A_57 = tpu.memref_slice %arg10[%dma_start3A_56] : memref<1024xf32, #tpu.memory_space<vmem>> -> memref<128xf32, #tpu.memory_space<vmem>>
      %dma_start3A_58 = arith.constant 0 : i32
      %dma_start3A_59 = tpu.memref_slice %arg8[%dma_start3A_55, %dma_start3A_58] : memref<8x128xi32, #tpu.memory_space<vmem>> -> memref<1x128xi32, #tpu.memory_space<vmem>>
      %dma_start3A_60 = tpu.memref_squeeze %dma_start3A_59 : memref<1x128xi32, #tpu.memory_space<vmem>> -> memref<128xi32, #tpu.memory_space<vmem>>
      %dma_start3A_61 = arith.constant 0 : i32
      %dma_start3A_62 = tpu.memref_slice %arg5[%dma_start3A_61] : memref<1000000xf32, #tpu.memory_space<hbm>> -> memref<1000000xf32, #tpu.memory_space<hbm>>
      tpu.enqueue_indirect_dma source(%dma_start3A_62 : memref<1000000xf32, #tpu.memory_space<hbm>>) target(%dma_start3A_57 : memref<128xf32, #tpu.memory_space<vmem>>) offsets(%dma_start3A_60 : memref<128xi32, #tpu.memory_space<vmem>>) semaphore(%arg11 : memref<!tpu.dma_semaphore, #tpu.memory_space<semaphore_mem>>)
      %dma_start3A_63 = arith.constant 5 : i32
      %dma_start3A_64 = arith.constant 640 : i32
      %dma_start3A_65 = tpu.memref_slice %arg10[%dma_start3A_64] : memref<1024xf32, #tpu.memory_space<vmem>> -> memref<128xf32, #tpu.memory_space<vmem>>
      %dma_start3A_66 = arith.constant 0 : i32
      %dma_start3A_67 = tpu.memref_slice %arg8[%dma_start3A_63, %dma_start3A_66] : memref<8x128xi32, #tpu.memory_space<vmem>> -> memref<1x128xi32, #tpu.memory_space<vmem>>
      %dma_start3A_68 = tpu.memref_squeeze %dma_start3A_67 : memref<1x128xi32, #tpu.memory_space<vmem>> -> memref<128xi32, #tpu.memory_space<vmem>>
      %dma_start3A_69 = arith.constant 0 : i32
      %dma_start3A_70 = tpu.memref_slice %arg5[%dma_start3A_69] : memref<1000000xf32, #tpu.memory_space<hbm>> -> memref<1000000xf32, #tpu.memory_space<hbm>>
      tpu.enqueue_indirect_dma source(%dma_start3A_70 : memref<1000000xf32, #tpu.memory_space<hbm>>) target(%dma_start3A_65 : memref<128xf32, #tpu.memory_space<vmem>>) offsets(%dma_start3A_68 : memref<128xi32, #tpu.memory_space<vmem>>) semaphore(%arg11 : memref<!tpu.dma_semaphore, #tpu.memory_space<semaphore_mem>>)
      %dma_start3A_71 = arith.constant 6 : i32
      %dma_start3A_72 = arith.constant 768 : i32
      %dma_start3A_73 = tpu.memref_slice %arg10[%dma_start3A_72] : memref<1024xf32, #tpu.memory_space<vmem>> -> memref<128xf32, #tpu.memory_space<vmem>>
      %dma_start3A_74 = arith.constant 0 : i32
      %dma_start3A_75 = tpu.memref_slice %arg8[%dma_start3A_71, %dma_start3A_74] : memref<8x128xi32, #tpu.memory_space<vmem>> -> memref<1x128xi32, #tpu.memory_space<vmem>>
      %dma_start3A_76 = tpu.memref_squeeze %dma_start3A_75 : memref<1x128xi32, #tpu.memory_space<vmem>> -> memref<128xi32, #tpu.memory_space<vmem>>
      %dma_start3A_77 = arith.constant 0 : i32
      %dma_start3A_78 = tpu.memref_slice %arg5[%dma_start3A_77] : memref<1000000xf32, #tpu.memory_space<hbm>> -> memref<1000000xf32, #tpu.memory_space<hbm>>
      tpu.enqueue_indirect_dma source(%dma_start3A_78 : memref<1000000xf32, #tpu.memory_space<hbm>>) target(%dma_start3A_73 : memref<128xf32, #tpu.memory_space<vmem>>) offsets(%dma_start3A_76 : memref<128xi32, #tpu.memory_space<vmem>>) semaphore(%arg11 : memref<!tpu.dma_semaphore, #tpu.memory_space<semaphore_mem>>)
      %dma_start3A_79 = arith.constant 7 : i32
      %dma_start3A_80 = arith.constant 896 : i32
      %dma_start3A_81 = tpu.memref_slice %arg10[%dma_start3A_80] : memref<1024xf32, #tpu.memory_space<vmem>> -> memref<128xf32, #tpu.memory_space<vmem>>
      %dma_start3A_82 = arith.constant 0 : i32
      %dma_start3A_83 = tpu.memref_slice %arg8[%dma_start3A_79, %dma_start3A_82] : memref<8x128xi32, #tpu.memory_space<vmem>> -> memref<1x128xi32, #tpu.memory_space<vmem>>
      %dma_start3A_84 = tpu.memref_squeeze %dma_start3A_83 : memref<1x128xi32, #tpu.memory_space<vmem>> -> memref<128xi32, #tpu.memory_space<vmem>>
      %dma_start3A_85 = arith.constant 0 : i32
      %dma_start3A_86 = tpu.memref_slice %arg5[%dma_start3A_85] : memref<1000000xf32, #tpu.memory_space<hbm>> -> memref<1000000xf32, #tpu.memory_space<hbm>>
      tpu.enqueue_indirect_dma source(%dma_start3A_86 : memref<1000000xf32, #tpu.memory_space<hbm>>) target(%dma_start3A_81 : memref<128xf32, #tpu.memory_space<vmem>>) offsets(%dma_start3A_84 : memref<128xi32, #tpu.memory_space<vmem>>) semaphore(%arg11 : memref<!tpu.dma_semaphore, #tpu.memory_space<semaphore_mem>>)
      %dma_wait3A = arith.constant 0 : i32
      %dma_wait3A_87 = arith.constant 0 : i32
      %dma_wait3A_88 = tpu.memref_slice %arg10[%dma_wait3A_87] : memref<1024xf32, #tpu.memory_space<vmem>> -> memref<128xf32, #tpu.memory_space<vmem>>
      %dma_wait3A_89 = arith.constant 0 : i32
      %dma_wait3A_90 = tpu.memref_slice %arg8[%dma_wait3A, %dma_wait3A_89] : memref<8x128xi32, #tpu.memory_space<vmem>> -> memref<1x128xi32, #tpu.memory_space<vmem>>
      %dma_wait3A_91 = tpu.memref_squeeze %dma_wait3A_90 : memref<1x128xi32, #tpu.memory_space<vmem>> -> memref<128xi32, #tpu.memory_space<vmem>>
      %dma_wait3A_92 = arith.constant 0 : i32
      %dma_wait3A_93 = tpu.memref_slice %arg5[%dma_wait3A_92] : memref<1000000xf32, #tpu.memory_space<hbm>> -> memref<1000000xf32, #tpu.memory_space<hbm>>
      tpu.wait_indirect_dma semaphore(%arg11 : memref<!tpu.dma_semaphore, #tpu.memory_space<semaphore_mem>>) src(%dma_wait3A_93 : memref<1000000xf32, #tpu.memory_space<hbm>>) dst(%dma_wait3A_88 : memref<128xf32, #tpu.memory_space<vmem>>)
      %dma_wait3A_94 = arith.constant 1 : i32
      %dma_wait3A_95 = arith.constant 128 : i32
      %dma_wait3A_96 = tpu.memref_slice %arg10[%dma_wait3A_95] : memref<1024xf32, #tpu.memory_space<vmem>> -> memref<128xf32, #tpu.memory_space<vmem>>
      %dma_wait3A_97 = arith.constant 0 : i32
      %dma_wait3A_98 = tpu.memref_slice %arg8[%dma_wait3A_94, %dma_wait3A_97] : memref<8x128xi32, #tpu.memory_space<vmem>> -> memref<1x128xi32, #tpu.memory_space<vmem>>
      %dma_wait3A_99 = tpu.memref_squeeze %dma_wait3A_98 : memref<1x128xi32, #tpu.memory_space<vmem>> -> memref<128xi32, #tpu.memory_space<vmem>>
      %dma_wait3A_100 = arith.constant 0 : i32
      %dma_wait3A_101 = tpu.memref_slice %arg5[%dma_wait3A_100] : memref<1000000xf32, #tpu.memory_space<hbm>> -> memref<1000000xf32, #tpu.memory_space<hbm>>
      tpu.wait_indirect_dma semaphore(%arg11 : memref<!tpu.dma_semaphore, #tpu.memory_space<semaphore_mem>>) src(%dma_wait3A_101 : memref<1000000xf32, #tpu.memory_space<hbm>>) dst(%dma_wait3A_96 : memref<128xf32, #tpu.memory_space<vmem>>)
      %dma_wait3A_102 = arith.constant 2 : i32
      %dma_wait3A_103 = arith.constant 256 : i32
      %dma_wait3A_104 = tpu.memref_slice %arg10[%dma_wait3A_103] : memref<1024xf32, #tpu.memory_space<vmem>> -> memref<128xf32, #tpu.memory_space<vmem>>
      %dma_wait3A_105 = arith.constant 0 : i32
      %dma_wait3A_106 = tpu.memref_slice %arg8[%dma_wait3A_102, %dma_wait3A_105] : memref<8x128xi32, #tpu.memory_space<vmem>> -> memref<1x128xi32, #tpu.memory_space<vmem>>
      %dma_wait3A_107 = tpu.memref_squeeze %dma_wait3A_106 : memref<1x128xi32, #tpu.memory_space<vmem>> -> memref<128xi32, #tpu.memory_space<vmem>>
      %dma_wait3A_108 = arith.constant 0 : i32
      %dma_wait3A_109 = tpu.memref_slice %arg5[%dma_wait3A_108] : memref<1000000xf32, #tpu.memory_space<hbm>> -> memref<1000000xf32, #tpu.memory_space<hbm>>
      tpu.wait_indirect_dma semaphore(%arg11 : memref<!tpu.dma_semaphore, #tpu.memory_space<semaphore_mem>>) src(%dma_wait3A_109 : memref<1000000xf32, #tpu.memory_space<hbm>>) dst(%dma_wait3A_104 : memref<128xf32, #tpu.memory_space<vmem>>)
      %dma_wait3A_110 = arith.constant 3 : i32
      %dma_wait3A_111 = arith.constant 384 : i32
      %dma_wait3A_112 = tpu.memref_slice %arg10[%dma_wait3A_111] : memref<1024xf32, #tpu.memory_space<vmem>> -> memref<128xf32, #tpu.memory_space<vmem>>
      %dma_wait3A_113 = arith.constant 0 : i32
      %dma_wait3A_114 = tpu.memref_slice %arg8[%dma_wait3A_110, %dma_wait3A_113] : memref<8x128xi32, #tpu.memory_space<vmem>> -> memref<1x128xi32, #tpu.memory_space<vmem>>
      %dma_wait3A_115 = tpu.memref_squeeze %dma_wait3A_114 : memref<1x128xi32, #tpu.memory_space<vmem>> -> memref<128xi32, #tpu.memory_space<vmem>>
      %dma_wait3A_116 = arith.constant 0 : i32
      %dma_wait3A_117 = tpu.memref_slice %arg5[%dma_wait3A_116] : memref<1000000xf32, #tpu.memory_space<hbm>> -> memref<1000000xf32, #tpu.memory_space<hbm>>
      tpu.wait_indirect_dma semaphore(%arg11 : memref<!tpu.dma_semaphore, #tpu.memory_space<semaphore_mem>>) src(%dma_wait3A_117 : memref<1000000xf32, #tpu.memory_space<hbm>>) dst(%dma_wait3A_112 : memref<128xf32, #tpu.memory_space<vmem>>)
      %dma_wait3A_118 = arith.constant 4 : i32
      %dma_wait3A_119 = arith.constant 512 : i32
      %dma_wait3A_120 = tpu.memref_slice %arg10[%dma_wait3A_119] : memref<1024xf32, #tpu.memory_space<vmem>> -> memref<128xf32, #tpu.memory_space<vmem>>
      %dma_wait3A_121 = arith.constant 0 : i32
      %dma_wait3A_122 = tpu.memref_slice %arg8[%dma_wait3A_118, %dma_wait3A_121] : memref<8x128xi32, #tpu.memory_space<vmem>> -> memref<1x128xi32, #tpu.memory_space<vmem>>
      %dma_wait3A_123 = tpu.memref_squeeze %dma_wait3A_122 : memref<1x128xi32, #tpu.memory_space<vmem>> -> memref<128xi32, #tpu.memory_space<vmem>>
      %dma_wait3A_124 = arith.constant 0 : i32
      %dma_wait3A_125 = tpu.memref_slice %arg5[%dma_wait3A_124] : memref<1000000xf32, #tpu.memory_space<hbm>> -> memref<1000000xf32, #tpu.memory_space<hbm>>
      tpu.wait_indirect_dma semaphore(%arg11 : memref<!tpu.dma_semaphore, #tpu.memory_space<semaphore_mem>>) src(%dma_wait3A_125 : memref<1000000xf32, #tpu.memory_space<hbm>>) dst(%dma_wait3A_120 : memref<128xf32, #tpu.memory_space<vmem>>)
      %dma_wait3A_126 = arith.constant 5 : i32
      %dma_wait3A_127 = arith.constant 640 : i32
      %dma_wait3A_128 = tpu.memref_slice %arg10[%dma_wait3A_127] : memref<1024xf32, #tpu.memory_space<vmem>> -> memref<128xf32, #tpu.memory_space<vmem>>
      %dma_wait3A_129 = arith.constant 0 : i32
      %dma_wait3A_130 = tpu.memref_slice %arg8[%dma_wait3A_126, %dma_wait3A_129] : memref<8x128xi32, #tpu.memory_space<vmem>> -> memref<1x128xi32, #tpu.memory_space<vmem>>
      %dma_wait3A_131 = tpu.memref_squeeze %dma_wait3A_130 : memref<1x128xi32, #tpu.memory_space<vmem>> -> memref<128xi32, #tpu.memory_space<vmem>>
      %dma_wait3A_132 = arith.constant 0 : i32
      %dma_wait3A_133 = tpu.memref_slice %arg5[%dma_wait3A_132] : memref<1000000xf32, #tpu.memory_space<hbm>> -> memref<1000000xf32, #tpu.memory_space<hbm>>
      tpu.wait_indirect_dma semaphore(%arg11 : memref<!tpu.dma_semaphore, #tpu.memory_space<semaphore_mem>>) src(%dma_wait3A_133 : memref<1000000xf32, #tpu.memory_space<hbm>>) dst(%dma_wait3A_128 : memref<128xf32, #tpu.memory_space<vmem>>)
      %dma_wait3A_134 = arith.constant 6 : i32
      %dma_wait3A_135 = arith.constant 768 : i32
      %dma_wait3A_136 = tpu.memref_slice %arg10[%dma_wait3A_135] : memref<1024xf32, #tpu.memory_space<vmem>> -> memref<128xf32, #tpu.memory_space<vmem>>
      %dma_wait3A_137 = arith.constant 0 : i32
      %dma_wait3A_138 = tpu.memref_slice %arg8[%dma_wait3A_134, %dma_wait3A_137] : memref<8x128xi32, #tpu.memory_space<vmem>> -> memref<1x128xi32, #tpu.memory_space<vmem>>
      %dma_wait3A_139 = tpu.memref_squeeze %dma_wait3A_138 : memref<1x128xi32, #tpu.memory_space<vmem>> -> memref<128xi32, #tpu.memory_space<vmem>>
      %dma_wait3A_140 = arith.constant 0 : i32
      %dma_wait3A_141 = tpu.memref_slice %arg5[%dma_wait3A_140] : memref<1000000xf32, #tpu.memory_space<hbm>> -> memref<1000000xf32, #tpu.memory_space<hbm>>
      tpu.wait_indirect_dma semaphore(%arg11 : memref<!tpu.dma_semaphore, #tpu.memory_space<semaphore_mem>>) src(%dma_wait3A_141 : memref<1000000xf32, #tpu.memory_space<hbm>>) dst(%dma_wait3A_136 : memref<128xf32, #tpu.memory_space<vmem>>)
      %dma_wait3A_142 = arith.constant 7 : i32
      %dma_wait3A_143 = arith.constant 896 : i32
      %dma_wait3A_144 = tpu.memref_slice %arg10[%dma_wait3A_143] : memref<1024xf32, #tpu.memory_space<vmem>> -> memref<128xf32, #tpu.memory_space<vmem>>
      %dma_wait3A_145 = arith.constant 0 : i32
      %dma_wait3A_146 = tpu.memref_slice %arg8[%dma_wait3A_142, %dma_wait3A_145] : memref<8x128xi32, #tpu.memory_space<vmem>> -> memref<1x128xi32, #tpu.memory_space<vmem>>
      %dma_wait3A_147 = tpu.memref_squeeze %dma_wait3A_146 : memref<1x128xi32, #tpu.memory_space<vmem>> -> memref<128xi32, #tpu.memory_space<vmem>>
      %dma_wait3A_148 = arith.constant 0 : i32
      %dma_wait3A_149 = tpu.memref_slice %arg5[%dma_wait3A_148] : memref<1000000xf32, #tpu.memory_space<hbm>> -> memref<1000000xf32, #tpu.memory_space<hbm>>
      tpu.wait_indirect_dma semaphore(%arg11 : memref<!tpu.dma_semaphore, #tpu.memory_space<semaphore_mem>>) src(%dma_wait3A_149 : memref<1000000xf32, #tpu.memory_space<hbm>>) dst(%dma_wait3A_144 : memref<128xf32, #tpu.memory_space<vmem>>)
      %mul3A_150 = arith.constant 1024 : i32
      %mul3A_151 = arith.muli %scan3A_20, %mul3A_150 : i32
      %add3A_152 = arith.addi %mul3A_11, %mul3A_151 : i32
      "tpu.region"() ({
        %run_scoped3A = tpu.sem_alloc : memref<!tpu.dma_semaphore, #tpu.memory_space<semaphore_mem>>
        %dma_start3A_153 = tpu.memref_slice %arg7[%add3A_152] : memref<425984xf32, #tpu.memory_space<hbm>> -> memref<1024xf32, #tpu.memory_space<hbm>>
        %dma_start3A_154 = tpu.memref_slice %arg7[%add3A_152] : memref<425984xf32, #tpu.memory_space<hbm>> -> memref<1024xf32, #tpu.memory_space<hbm>>
        tpu.enqueue_dma source(%arg10 : memref<1024xf32, #tpu.memory_space<vmem>>) target(%dma_start3A_154 : memref<1024xf32, #tpu.memory_space<hbm>>) target_semaphore(%run_scoped3A : memref<!tpu.dma_semaphore, #tpu.memory_space<semaphore_mem>>)
        %dma_wait3A_155 = tpu.memref_slice %arg7[%add3A_152] : memref<425984xf32, #tpu.memory_space<hbm>> -> memref<1024xf32, #tpu.memory_space<hbm>>
        %dma_wait3A_156 = tpu.memref_slice %arg7[%add3A_152] : memref<425984xf32, #tpu.memory_space<hbm>> -> memref<1024xf32, #tpu.memory_space<hbm>>
        tpu.wait_dma2 semaphore(%run_scoped3A : memref<!tpu.dma_semaphore, #tpu.memory_space<semaphore_mem>>) src(%arg10 : memref<1024xf32, #tpu.memory_space<vmem>>) dst(%dma_wait3A_156 : memref<1024xf32, #tpu.memory_space<hbm>>)
        tpu.yield
      }) : () -> ()
    }
    %scan3A_19 = arith.constant 13 : i32
    return
  }
}

module attributes {stable_mosaic.version = 14 : i64} {
  func.func @_tc_body(%arg0: i32, %arg1: memref<512x128xf32, #tpu.memory_space<vmem>>, %arg2: memref<512x128xf32, #tpu.memory_space<vmem>>, %arg3: memref<512x128xf32, #tpu.memory_space<vmem>>, %arg4: memref<512x128xf32, #tpu.memory_space<vmem>>, %arg5: memref<512x26xf32, #tpu.memory_space<vmem>>, %arg6: memref<512x26xf32, #tpu.memory_space<vmem>>, %arg7: memref<26x512xf32, #tpu.memory_space<vmem>>, %arg8: memref<512x16xf32, #tpu.memory_space<vmem>>, %arg9: memref<512x512xf32, #tpu.memory_space<vmem>>, %arg10: memref<1x512xf32, #tpu.memory_space<vmem>>, %arg11: memref<512x512xf32, #tpu.memory_space<vmem>>, %arg12: memref<1x512xf32, #tpu.memory_space<vmem>>, %arg13: memref<512x1xf32, #tpu.memory_space<vmem>>, %arg14: memref<1x1xf32, #tpu.memory_space<vmem>>, %arg15: memref<1x1xf32, #tpu.memory_space<vmem>>, %arg16: memref<1x1xf32, #tpu.memory_space<vmem>>, %arg17: memref<512x1xf32, #tpu.memory_space<vmem>>) attributes {dimension_semantics = [#tpu.dimension_semantics<arbitrary>], iteration_bounds = array<i64: 32>, scalar_prefetch = 0 : i64, scratch_operands = 0 : i64, tpu.core_type = #tpu.core_type<tc>, window_params = [{transform_indices = @transform_0, window_bounds = array<i64: 512, 128>}, {transform_indices = @transform_1, window_bounds = array<i64: 512, 128>}, {transform_indices = @transform_2, window_bounds = array<i64: 512, 128>}, {transform_indices = @transform_3, window_bounds = array<i64: 512, 128>}, {transform_indices = @transform_4, window_bounds = array<i64: 512, 26>}, {transform_indices = @transform_5, window_bounds = array<i64: 512, 26>}, {pipeline_mode = #tpu.pipeline_mode<synchronous>, transform_indices = @transform_6, window_bounds = array<i64: 26, 512>}, {pipeline_mode = #tpu.pipeline_mode<synchronous>, transform_indices = @transform_7, window_bounds = array<i64: 512, 16>}, {pipeline_mode = #tpu.pipeline_mode<synchronous>, transform_indices = @transform_8, window_bounds = array<i64: 512, 512>}, {pipeline_mode = #tpu.pipeline_mode<synchronous>, transform_indices = @transform_9, window_bounds = array<i64: 1, 512>}, {pipeline_mode = #tpu.pipeline_mode<synchronous>, transform_indices = @transform_10, window_bounds = array<i64: 512, 512>}, {pipeline_mode = #tpu.pipeline_mode<synchronous>, transform_indices = @transform_11, window_bounds = array<i64: 1, 512>}, {pipeline_mode = #tpu.pipeline_mode<synchronous>, transform_indices = @transform_12, window_bounds = array<i64: 512, 1>}, {pipeline_mode = #tpu.pipeline_mode<synchronous>, transform_indices = @transform_13, window_bounds = array<i64: 1, 1>}, {pipeline_mode = #tpu.pipeline_mode<synchronous>, transform_indices = @transform_14, window_bounds = array<i64: 1, 1>}, {pipeline_mode = #tpu.pipeline_mode<synchronous>, transform_indices = @transform_15, window_bounds = array<i64: 1, 1>}, {transform_indices = @transform_16, window_bounds = array<i64: 512, 1>}]} {
    %get3A = arith.constant 0 : index
    %get3A_0 = arith.constant 0 : index
    %get3A_1 = vector.load %arg5[%get3A, %get3A_0] : memref<512x26xf32, #tpu.memory_space<vmem>>, vector<512x26xf32>
    %get3A_2 = arith.constant 0 : index
    %get3A_3 = arith.constant 0 : index
    %get3A_4 = vector.load %arg7[%get3A_2, %get3A_3] : memref<26x512xf32, #tpu.memory_space<vmem>>, vector<26x512xf32>
    %dot_general3A = arith.constant dense<0.000000e+00> : vector<512x512xf32>
    %dot_general3A_5 = tpu.matmul %get3A_1, %get3A_4, %dot_general3A {dimension_numbers = #tpu.dot_dimension_numbers<[1], [0], [0], [1], [0, 0, 1, 1], [], []>, transpose_lhs_hint = false} : vector<512x26xf32>, vector<26x512xf32>, vector<512x512xf32> -> vector<512x512xf32>
    %get3A_6 = arith.constant 0 : index
    %get3A_7 = arith.constant 0 : index
    %get3A_8 = vector.load %arg1[%get3A_6, %get3A_7] : memref<512x128xf32, #tpu.memory_space<vmem>>, vector<512x128xf32>
    %slice3A = vector.extract_strided_slice %dot_general3A_5 {offsets = [0, 0], sizes = [512, 128], strides = [1, 1]} : vector<512x512xf32> to vector<512x128xf32>
    %mul3A = arith.mulf %get3A_8, %slice3A : vector<512x128xf32>
    %get3A_9 = arith.constant 0 : index
    %get3A_10 = arith.constant 0 : index
    %get3A_11 = vector.load %arg2[%get3A_9, %get3A_10] : memref<512x128xf32, #tpu.memory_space<vmem>>, vector<512x128xf32>
    %slice3A_12 = vector.extract_strided_slice %dot_general3A_5 {offsets = [0, 128], sizes = [512, 128], strides = [1, 1]} : vector<512x512xf32> to vector<512x128xf32>
    %mul3A_13 = arith.mulf %get3A_11, %slice3A_12 : vector<512x128xf32>
    %get3A_14 = arith.constant 0 : index
    %get3A_15 = arith.constant 0 : index
    %get3A_16 = vector.load %arg3[%get3A_14, %get3A_15] : memref<512x128xf32, #tpu.memory_space<vmem>>, vector<512x128xf32>
    %slice3A_17 = vector.extract_strided_slice %dot_general3A_5 {offsets = [0, 256], sizes = [512, 128], strides = [1, 1]} : vector<512x512xf32> to vector<512x128xf32>
    %mul3A_18 = arith.mulf %get3A_16, %slice3A_17 : vector<512x128xf32>
    %get3A_19 = arith.constant 0 : index
    %get3A_20 = arith.constant 0 : index
    %get3A_21 = vector.load %arg4[%get3A_19, %get3A_20] : memref<512x128xf32, #tpu.memory_space<vmem>>, vector<512x128xf32>
    %slice3A_22 = vector.extract_strided_slice %dot_general3A_5 {offsets = [0, 384], sizes = [512, 128], strides = [1, 1]} : vector<512x512xf32> to vector<512x128xf32>
    %mul3A_23 = arith.mulf %get3A_21, %slice3A_22 : vector<512x128xf32>
    %concatenate3A = tpu.concatenate %mul3A, %mul3A_13, %mul3A_18, %mul3A_23 in 1 : vector<512x128xf32>, vector<512x128xf32>, vector<512x128xf32>, vector<512x128xf32> -> vector<512x512xf32>
    %get3A_24 = arith.constant 0 : index
    %get3A_25 = arith.constant 0 : index
    %get3A_26 = vector.load %arg8[%get3A_24, %get3A_25] : memref<512x16xf32, #tpu.memory_space<vmem>>, vector<512x16xf32>
    %dot_general3A_27 = arith.constant dense<0.000000e+00> : vector<512x16xf32>
    %dot_general3A_28 = tpu.matmul %concatenate3A, %get3A_26, %dot_general3A_27 {dimension_numbers = #tpu.dot_dimension_numbers<[1], [0], [0], [1], [0, 0, 1, 1], [], []>, transpose_lhs_hint = false} : vector<512x512xf32>, vector<512x16xf32>, vector<512x16xf32> -> vector<512x16xf32>
    %mul3A_29 = arith.mulf %dot_general3A_28, %dot_general3A_28 : vector<512x16xf32>
    %reduce_sum3A = arith.constant dense<0.000000e+00> : vector<512xf32>
    %reduce_sum3A_30 = vector.multi_reduction <add>, %mul3A_29, %reduce_sum3A [1] : vector<512x16xf32> to vector<512xf32>
    %broadcast_in_dim3A = vector.shape_cast %reduce_sum3A_30 : vector<512xf32> to vector<512x1xf32>
    %mul3A_31 = arith.mulf %concatenate3A, %concatenate3A : vector<512x512xf32>
    %reduce_sum3A_32 = arith.constant dense<0.000000e+00> : vector<512xf32>
    %reduce_sum3A_33 = vector.multi_reduction <add>, %mul3A_31, %reduce_sum3A_32 [1] : vector<512x512xf32> to vector<512xf32>
    %broadcast_in_dim3A_34 = vector.shape_cast %reduce_sum3A_33 : vector<512xf32> to vector<512x1xf32>
    %sub3A = arith.subf %broadcast_in_dim3A, %broadcast_in_dim3A_34 : vector<512x1xf32>
    %mul3A_35 = arith.constant 5.000000e-01 : f32
    %mul3A_36 = vector.broadcast %mul3A_35 : f32 to vector<512x1xf32>
    %mul3A_37 = arith.mulf %mul3A_36, %sub3A : vector<512x1xf32>
    %get3A_38 = arith.constant 0 : index
    %get3A_39 = arith.constant 0 : index
    %get3A_40 = vector.load %arg6[%get3A_38, %get3A_39] : memref<512x26xf32, #tpu.memory_space<vmem>>, vector<512x26xf32>
    %mul3A_41 = arith.mulf %get3A_40, %get3A_1 : vector<512x26xf32>
    %reduce_sum3A_42 = arith.constant dense<0.000000e+00> : vector<512xf32>
    %reduce_sum3A_43 = vector.multi_reduction <add>, %mul3A_41, %reduce_sum3A_42 [1] : vector<512x26xf32> to vector<512xf32>
    %broadcast_in_dim3A_44 = vector.shape_cast %reduce_sum3A_43 : vector<512xf32> to vector<512x1xf32>
    %get3A_45 = arith.constant 0 : index
    %get3A_46 = arith.constant 0 : index
    %get3A_47 = vector.load %arg9[%get3A_45, %get3A_46] : memref<512x512xf32, #tpu.memory_space<vmem>>, vector<512x512xf32>
    %dot_general3A_48 = arith.constant dense<0.000000e+00> : vector<512x512xf32>
    %dot_general3A_49 = tpu.matmul %concatenate3A, %get3A_47, %dot_general3A_48 {dimension_numbers = #tpu.dot_dimension_numbers<[1], [0], [0], [1], [0, 0, 1, 1], [], []>, transpose_lhs_hint = false} : vector<512x512xf32>, vector<512x512xf32>, vector<512x512xf32> -> vector<512x512xf32>
    %get3A_50 = arith.constant 0 : index
    %get3A_51 = arith.constant 0 : index
    %get3A_52 = vector.load %arg10[%get3A_50, %get3A_51] : memref<1x512xf32, #tpu.memory_space<vmem>>, vector<1x512xf32>
    %add3A = vector.broadcast %get3A_52 : vector<1x512xf32> to vector<512x512xf32>
    %add3A_53 = arith.addf %dot_general3A_49, %add3A : vector<512x512xf32>
    %max3A = arith.constant 0.000000e+00 : f32
    %max3A_54 = vector.broadcast %max3A : f32 to vector<512x512xf32>
    %max3A_55 = arith.maximumf %add3A_53, %max3A_54 : vector<512x512xf32>
    %get3A_56 = arith.constant 0 : index
    %get3A_57 = arith.constant 0 : index
    %get3A_58 = vector.load %arg11[%get3A_56, %get3A_57] : memref<512x512xf32, #tpu.memory_space<vmem>>, vector<512x512xf32>
    %dot_general3A_59 = arith.constant dense<0.000000e+00> : vector<512x512xf32>
    %dot_general3A_60 = tpu.matmul %max3A_55, %get3A_58, %dot_general3A_59 {dimension_numbers = #tpu.dot_dimension_numbers<[1], [0], [0], [1], [0, 0, 1, 1], [], []>, transpose_lhs_hint = false} : vector<512x512xf32>, vector<512x512xf32>, vector<512x512xf32> -> vector<512x512xf32>
    %get3A_61 = arith.constant 0 : index
    %get3A_62 = arith.constant 0 : index
    %get3A_63 = vector.load %arg12[%get3A_61, %get3A_62] : memref<1x512xf32, #tpu.memory_space<vmem>>, vector<1x512xf32>
    %add3A_64 = vector.broadcast %get3A_63 : vector<1x512xf32> to vector<512x512xf32>
    %add3A_65 = arith.addf %dot_general3A_60, %add3A_64 : vector<512x512xf32>
    %max3A_66 = arith.constant 0.000000e+00 : f32
    %max3A_67 = vector.broadcast %max3A_66 : f32 to vector<512x512xf32>
    %max3A_68 = arith.maximumf %add3A_65, %max3A_67 : vector<512x512xf32>
    %get3A_69 = arith.constant 0 : index
    %get3A_70 = arith.constant 0 : index
    %get3A_71 = vector.load %arg13[%get3A_69, %get3A_70] : memref<512x1xf32, #tpu.memory_space<vmem>>, vector<512x1xf32>
    %dot_general3A_72 = arith.constant dense<0.000000e+00> : vector<512x1xf32>
    %dot_general3A_73 = tpu.matmul %max3A_68, %get3A_71, %dot_general3A_72 {dimension_numbers = #tpu.dot_dimension_numbers<[1], [0], [0], [1], [0, 0, 1, 1], [], []>, transpose_lhs_hint = false} : vector<512x512xf32>, vector<512x1xf32>, vector<512x1xf32> -> vector<512x1xf32>
    %get3A_74 = arith.constant 0 : index
    %get3A_75 = arith.constant 0 : index
    %get3A_76 = vector.load %arg14[%get3A_74, %get3A_75] : memref<1x1xf32, #tpu.memory_space<vmem>>, vector<1x1xf32>
    %get3A_77 = vector.extract %get3A_76[0, 0] : f32 from vector<1x1xf32>
    %mul3A_78 = vector.broadcast %get3A_77 : f32 to vector<512x1xf32>
    %mul3A_79 = arith.mulf %broadcast_in_dim3A_44, %mul3A_78 : vector<512x1xf32>
    %add3A_80 = arith.addf %dot_general3A_73, %mul3A_79 : vector<512x1xf32>
    %get3A_81 = arith.constant 0 : index
    %get3A_82 = arith.constant 0 : index
    %get3A_83 = vector.load %arg15[%get3A_81, %get3A_82] : memref<1x1xf32, #tpu.memory_space<vmem>>, vector<1x1xf32>
    %get3A_84 = vector.extract %get3A_83[0, 0] : f32 from vector<1x1xf32>
    %mul3A_85 = vector.broadcast %get3A_84 : f32 to vector<512x1xf32>
    %mul3A_86 = arith.mulf %mul3A_37, %mul3A_85 : vector<512x1xf32>
    %add3A_87 = arith.addf %add3A_80, %mul3A_86 : vector<512x1xf32>
    %get3A_88 = arith.constant 0 : index
    %get3A_89 = arith.constant 0 : index
    %get3A_90 = vector.load %arg16[%get3A_88, %get3A_89] : memref<1x1xf32, #tpu.memory_space<vmem>>, vector<1x1xf32>
    %get3A_91 = vector.extract %get3A_90[0, 0] : f32 from vector<1x1xf32>
    %add3A_92 = vector.broadcast %get3A_91 : f32 to vector<512x1xf32>
    %add3A_93 = arith.addf %add3A_87, %add3A_92 : vector<512x1xf32>
    %swap3A = arith.constant 0 : index
    %swap3A_94 = arith.constant 0 : index
    %swap3A_95 = vector.load %arg17[%swap3A, %swap3A_94] : memref<512x1xf32, #tpu.memory_space<vmem>>, vector<512x1xf32>
    tpu.vector_store %arg17[%swap3A, %swap3A_94], %add3A_93 {strides = array<i32>} : memref<512x1xf32, #tpu.memory_space<vmem>>, vector<512x1xf32>,
    return
  }
  func.func @transform_0(%arg0: i32) -> (i32, i32) {
    %c0_i32 = arith.constant 0 : i32
    %c0_i32_0 = arith.constant 0 : i32
    return %arg0, %c0_i32 : i32, i32
  }
  func.func @transform_1(%arg0: i32) -> (i32, i32) {
    %c1_i32 = arith.constant 1 : i32
    %c0_i32 = arith.constant 0 : i32
    return %arg0, %c1_i32 : i32, i32
  }
  func.func @transform_2(%arg0: i32) -> (i32, i32) {
    %c2_i32 = arith.constant 2 : i32
    %c0_i32 = arith.constant 0 : i32
    return %arg0, %c2_i32 : i32, i32
  }
  func.func @transform_3(%arg0: i32) -> (i32, i32) {
    %c3_i32 = arith.constant 3 : i32
    %c0_i32 = arith.constant 0 : i32
    return %arg0, %c3_i32 : i32, i32
  }
  func.func @transform_4(%arg0: i32) -> (i32, i32) {
    %c0_i32 = arith.constant 0 : i32
    %c0_i32_0 = arith.constant 0 : i32
    return %arg0, %c0_i32 : i32, i32
  }
  func.func @transform_5(%arg0: i32) -> (i32, i32) {
    %c0_i32 = arith.constant 0 : i32
    %c0_i32_0 = arith.constant 0 : i32
    return %arg0, %c0_i32 : i32, i32
  }
  func.func @transform_6(%arg0: i32) -> (i32, i32) {
    %c0_i32 = arith.constant 0 : i32
    %c0_i32_0 = arith.constant 0 : i32
    %c0_i32_1 = arith.constant 0 : i32
    return %c0_i32, %c0_i32_0 : i32, i32
  }
  func.func @transform_7(%arg0: i32) -> (i32, i32) {
    %c0_i32 = arith.constant 0 : i32
    %c0_i32_0 = arith.constant 0 : i32
    %c0_i32_1 = arith.constant 0 : i32
    return %c0_i32, %c0_i32_0 : i32, i32
  }
  func.func @transform_8(%arg0: i32) -> (i32, i32) {
    %c0_i32 = arith.constant 0 : i32
    %c0_i32_0 = arith.constant 0 : i32
    %c0_i32_1 = arith.constant 0 : i32
    return %c0_i32, %c0_i32_0 : i32, i32
  }
  func.func @transform_9(%arg0: i32) -> (i32, i32) {
    %c0_i32 = arith.constant 0 : i32
    %c0_i32_0 = arith.constant 0 : i32
    %c0_i32_1 = arith.constant 0 : i32
    return %c0_i32, %c0_i32_0 : i32, i32
  }
  func.func @transform_10(%arg0: i32) -> (i32, i32) {
    %c0_i32 = arith.constant 0 : i32
    %c0_i32_0 = arith.constant 0 : i32
    %c0_i32_1 = arith.constant 0 : i32
    return %c0_i32, %c0_i32_0 : i32, i32
  }
  func.func @transform_11(%arg0: i32) -> (i32, i32) {
    %c0_i32 = arith.constant 0 : i32
    %c0_i32_0 = arith.constant 0 : i32
    %c0_i32_1 = arith.constant 0 : i32
    return %c0_i32, %c0_i32_0 : i32, i32
  }
  func.func @transform_12(%arg0: i32) -> (i32, i32) {
    %c0_i32 = arith.constant 0 : i32
    %c0_i32_0 = arith.constant 0 : i32
    %c0_i32_1 = arith.constant 0 : i32
    return %c0_i32, %c0_i32_0 : i32, i32
  }
  func.func @transform_13(%arg0: i32) -> (i32, i32) {
    %c0_i32 = arith.constant 0 : i32
    %c0_i32_0 = arith.constant 0 : i32
    %c0_i32_1 = arith.constant 0 : i32
    return %c0_i32, %c0_i32_0 : i32, i32
  }
  func.func @transform_14(%arg0: i32) -> (i32, i32) {
    %c0_i32 = arith.constant 0 : i32
    %c0_i32_0 = arith.constant 0 : i32
    %c0_i32_1 = arith.constant 0 : i32
    return %c0_i32, %c0_i32_0 : i32, i32
  }
  func.func @transform_15(%arg0: i32) -> (i32, i32) {
    %c0_i32 = arith.constant 0 : i32
    %c0_i32_0 = arith.constant 0 : i32
    %c0_i32_1 = arith.constant 0 : i32
    return %c0_i32, %c0_i32_0 : i32, i32
  }
  func.func @transform_16(%arg0: i32) -> (i32, i32) {
    %c0_i32 = arith.constant 0 : i32
    %c0_i32_0 = arith.constant 0 : i32
    return %arg0, %c0_i32 : i32, i32
  }
}

</mosaic_0001>

<sc_bundles>
// kernel: kernel.4.cloned.1.call-start
scs
__scs_entry_jumppad:
0x0: {  	(pc) =	sbr.rel $0x88, $3  }
0x1: {  	(tag) =	ssettag $0x0;
	lr =	simm.s32 $0x1  }
0x2: {  	[smem:$0x3F97] =	sst lr;
	_ =	strace $0xD0000000  }
0x3: {  	_ = 	snop  }
0x4: {  	_ = 	snop  }
0x5: {  	_ = 	snop  }
0x6: {  	_ = 	snop  }
0x7: {  	_ = 	snop  }
__scs_overlays_trampoline_lowered:
0x8: {  	[smem:$0x3FA6] =	sst s0  }
0x9: {  	[smem:$0x3FA7] =	sst s1  }
0xa: {  	[smem:$0x3FA8] =	sst s2  }
0xb: {  	[smem:$0x3FA9] =	sst s3  }
0xc: {  	[smem:$0x3FAA] =	sst s4  }
0xd: {  	[smem:$0x3FAB] =	sst s5  }
0xe: {  	[smem:$0x3FAC] =	sst s6  }
0xf: {  	[smem:$0x3FAD] =	sst s7  }
0x10: {  	[smem:$0x3FAE] =	sst s8  }
0x11: {  	[smem:$0x3FAF] =	sst s9;
	s0 =	simm.s32 @!p0 $0x0  }
0x12: {  	s1 =	sld [smem:$0x3F95];
	s0 =	simm.s32 @p0 $0x1  }
0x13: {  	[smem:$0x3FB0] =	sst s0;
	s0 =	simm.s32 @!p1 $0x0  }
0x14: {  	s2 =	sld [smem:$0x3F94];
	s0 =	simm.s32 @p1 $0x1  }
0x15: {  	[smem:$0x3FB1] =	sst s0;
	s0 =	simm.s32 @!p2 $0x0  }
0x16: {  	s3 =	sld [smem:$0x3FDB];
	s0 =	simm.s32 @p2 $0x1  }
0x17: {  	s4 =	simm.s32 $0x1BF5;
	[smem:$0x3FB3] =	sst s0  }
0x18: {  	s0 =	sld [smem:$0x3F96];
	_ =	swait.ge [sflag:s4], $0x0  }
0x19: {  	s7 =	sld [smem:$0x3F97]  }
0x1a: {  	s8 =	sadd.s32 $0xFFFFE003, lr  }
0x1b: {  	s9 =	sadd.s32 $0xFFFFFEF7, lr;
	s5 =	simm.s32 $0xFFFFFFFF;
	p2 =	slt.u32 s8, $0xFFFFF086  }
0x1c: {  	p1 =	slt.u32 s9, $0xF7A;
	s5 =	simm.s32 @!p2 $0x0  }
0x1d: {  	s5 =	simm.s32 @p1 $0x1;
	p0 =	seq.s32 s7, s2  }
0x1e: {  	s7 =	smul.u32 @!p0 $0xF7A, s2;
	p2 =	seq.s32 @!p0 s5, $0x0  }
0x1f: {  	s9 =	smul.u32 $0xF7A, s1;
	s8 =	simm.s32 @!p0 $0x1BF5;
	p2 =	por !p2, p0  }
0x20: {  	[sflag:s8] =	ssyncset.s32 @!p0 $0xFFFFF086;
	s6 =	sadd.s32 @!p0 s3, s7;
	s7 =	simm.s32 @!p0 $0x108  }
0x21: {  	s3 =	sadd.s32 s3, s9;
	s6 =	sadd.s32 @!p0 $0x88, s6;
	s7 =	simm.s32 @p2 $0x1082  }
0x22: {  	[simem:s7], [sflag:s8] =	dma.local @!p0 [hbm:s6], $0xF7A  }
0x23: {  	s9 =	sor.u32 $0xD0000000, s2;
	s6 =	simm.s32 $0x108;
	_ =	swait.ge @!p0 [sflag:s8], $0x0  }
0x24: {  	s3 =	sadd.s32 $0x88, s3;
	s6 =	simm.s32 @!p1 $0x1082;
	[sflag:s4] =	ssyncset.s32 $0xFFFFF086  }
0x25: {  	[simem:s6], [sflag:s4] =	dma.local [hbm:s3], $0xF7A  }
0x26: {  	[smem:$0x3F97] =	sst s1;
	(tag) =	ssettag s2;
	_ =	strace s9  }
0x27: {  	s1 =	sld [smem:$0x3FA7]  }
0x28: {  	s2 =	sld [smem:$0x3FA8]  }
0x29: {  	s4 =	sld [smem:$0x3FAA]  }
0x2a: {  	p0 =	seq.s32 s5, $0x0;
	s5 =	sld [smem:$0x3FAB]  }
0x2b: {  	s6 =	sld [smem:$0x3FAC]  }
0x2c: {  	s7 =	sld [smem:$0x3FAD]  }
0x2d: {  	s3 =	simm.s32 $0x108;
	s8 =	sld [smem:$0x3FAE]  }
0x2e: {  	s3 =	simm.s32 @!p0 $0x1082;
	s9 =	sld [smem:$0x3FAF]  }
0x2f: {  	lr =	sadd.s32 s0, s3;
	s0 =	sld [smem:$0x3FA6]  }
0x30: {  	s3 =	sld [smem:$0x3FA9]  }
0x31: {  	[smem:$0x3FB2] =	sst s10  }
0x32: {  	s10 =	sld [smem:$0x3FB0];
	_ =	sdelay $0x3  }
0x33: {  	p0 =	seq.s32 s10, $0x1;
	s10 =	sld [smem:$0x3FB2];
	_ =	sdelay $0x3  }
0x34: {  	[smem:$0x3FB2] =	sst s10  }
0x35: {  	s10 =	sld [smem:$0x3FB1];
	_ =	sdelay $0x3  }
0x36: {  	p1 =	seq.s32 s10, $0x1;
	s10 =	sld [smem:$0x3FB2];
	_ =	sdelay $0x3  }
0x37: {  	[smem:$0x3FB2] =	sst s10  }
0x38: {  	s10 =	sld [smem:$0x3FB3]  }
0x39: {  	_ = 	snop;
	(pc) =	sbr.ind lr, $3  }
0x3a: {  	_ = 	snop  }
0x3b: {  	_ = 	snop  }
0x3c: {  	p2 =	seq.s32 s10, $0x1;
	s10 =	sld [smem:$0x3FB2]  }
0x3d: {  	_ =	shalt  }
0x3e: {  	_ =	shalt  }
0x3f: {  	_ =	shalt  }
0x40: {  	_ =	shalt  }
0x41: {  	_ =	shalt  }
0x42: {  	_ =	shalt  }
0x43: {  	_ =	shalt  }
0x44: {  	_ =	shalt  }
0x45: {  	_ =	shalt  }
0x46: {  	_ =	shalt  }
0x47: {  	_ =	shalt  }
0x48: {  	_ =	shalt  }
0x49: {  	_ =	shalt  }
0x4a: {  	_ =	shalt  }
0x4b: {  	_ =	shalt  }
0x4c: {  	_ =	shalt  }
0x4d: {  	_ =	shalt  }
0x4e: {  	_ =	shalt  }
0x4f: {  	_ =	shalt  }
0x50: {  	_ =	shalt  }
0x51: {  	_ =	shalt  }
0x52: {  	_ =	shalt  }
0x53: {  	_ =	shalt  }
0x54: {  	_ =	shalt  }
0x55: {  	_ =	shalt  }
0x56: {  	_ =	shalt  }
0x57: {  	_ =	shalt  }
0x58: {  	_ =	shalt  }
0x59: {  	_ =	shalt  }
0x5a: {  	_ =	shalt  }
0x5b: {  	_ =	shalt  }
0x5c: {  	_ =	shalt  }
0x5d: {  	_ =	shalt  }
0x5e: {  	_ =	shalt  }
0x5f: {  	_ =	shalt  }
0x60: {  	_ =	shalt  }
0x61: {  	_ =	shalt  }
0x62: {  	_ =	shalt  }
0x63: {  	_ =	shalt  }
0x64: {  	_ =	shalt  }
0x65: {  	_ =	shalt  }
0x66: {  	_ =	shalt  }
0x67: {  	_ =	shalt  }
0x68: {  	_ =	shalt  }
0x69: {  	_ =	shalt  }
0x6a: {  	_ =	shalt  }
0x6b: {  	_ =	shalt  }
0x6c: {  	_ =	shalt  }
0x6d: {  	_ =	shalt  }
0x6e: {  	_ =	shalt  }
0x6f: {  	_ =	shalt  }
0x70: {  	_ =	shalt  }
0x71: {  	_ =	shalt  }
0x72: {  	_ =	shalt  }
0x73: {  	_ =	shalt  }
0x74: {  	_ =	shalt  }
0x75: {  	_ =	shalt  }
0x76: {  	_ =	shalt  }
0x77: {  	_ =	shalt  }
0x78: {  	_ =	shalt  }
0x79: {  	_ =	shalt  }
0x7a: {  	_ =	shalt  }
0x7b: {  	_ =	shalt  }
0x7c: {  	_ =	shalt  }
0x7d: {  	_ =	shalt  }
0x7e: {  	_ =	shalt  }
0x7f: {  	_ =	shalt  }
0x80: {  	_ =	shalt  }
0x81: {  	_ =	shalt  }
0x82: {  	_ =	shalt  }
0x83: {  	_ =	shalt  }
0x84: {  	_ =	shalt  }
0x85: {  	_ =	shalt  }
0x86: {  	_ =	shalt  }
0x87: {  	_ =	shalt  }
.Lfunc_end0:
.L_simem_size_0:
called_computation_lowered:
.L_overlay_start_0:
0x88: {  	s2 =	sld [smem:$0x3FD9]  }
0x89: {  	s3 =	sld [smem:$0x3FFE];
	_ =	sdelay $0x1  }
0x8a: {  	s1 =	srdreg.scid  }
0x8b: {  	s0 =	sand.u32 $0x1, s1  }
0x8c: {  	s16 =	sshll.u32 s0, $0xA;
	s2 =	sadd.s32 s3, s2  }
0x8d: {  	s2 =	sadd.s32 s2, s16  }
0x8e: {  	[smem:$0x3FBE] =	sst s2  }
0x8f: {  	_ = 	snop  }
0x90: {  	(tm) =	ssettm $0x1  }
0x91: {  	s17 =	sld [smem:$0x3FFB];
	_ =	sdelay $0x3  }
0x92: {  	_ =	strace s17  }
0x93: {  	s2 =	sld [smem:$0x3FFC];
	_ =	sdelay $0x3  }
0x94: {  	_ =	strace s2  }
0x95: {  	s2 =	sld [smem:$0x3FFD];
	_ =	sdelay $0x3  }
0x96: {  	_ =	strace s2  }
0x97: {  	_ =	strace $0x8FFFFFFF  }
0x98: {  	s18 =	sld [smem:$0x3FDB];
	_ =	sdelay $0x1  }
0x99: {  	s19 =	simm.s32 $_scs_section_size  }
0x9a: {  	s4 =	simm.s32 $_size__tile_overlayer_lowered;
	s5 =	simm.s32 $_tile_overlayer_lowered  }
0x9b: {  	s22 =	simm.s32 $0x1BFF;
	s21 =	sshll.u32 s5, $0x1;
	s2 =	sadd.s32 s19, s18  }
0x9c: {  	s6 =	simm.s32 $0x0;
	s20 =	sshll.u32 s4, $0x1;
	s4 =	sadd.s32 s21, s2  }
0x9d: {  	[timem:s6], [sflag:s22] =	dma.local [hbm:s4], s20  }
0x9e: {  	_ =	swait.ge [sflag:s22], s20  }
0x9f: {  	s3 =	ssub.s32 $0x0, s20;
	[sflag:s22] =	ssyncset.done $0x0  }
0xa0: {  	[sflag:s22] =	ssyncadd.s32 s3;
	_ =	sdelay $0x1  }
0xa1: {  	s23 =	simm.s32 $0x1B8B  }
0xa2: {  	_ =	swait.ge [sflag:s23], $0x1  }
0xa3: {  	[sflag:s23] =	ssyncset.done $0x0  }
0xa4: {  	s25 =	simm.s32 $0x1B8E;
	s24 =	sld [smem:$0x3FFE];
	[sflag:s23] =	ssyncadd.s32 $0xFFFFFFFF  }
0xa5: {  	s26 =	simm.s32 $execute0_lowered;
	[smem:$0x3FD2] =	sst s25  }
0xa6: {  	s4 =	sshll.u32 s26, $0x1;
	_ =	strace $0x80000046;
	[dreg:$0x1] =	wrdreg $0xFFFFFFFF  }
0xa7: {  	s28 =	simm.s32 $_size_execute0_lowered;
	s2 =	sadd.s32 s2, s4;
	[dreg:$0x0] =	wrdreg $0x0  }
0xa8: {  	s4 =	sshll.u32 s28, $0x1;
	[dreg:$0x2] =	wrdreg s2  }
0xa9: {  	[dreg:$0x3] =	wrdreg s4  }
0xaa: {  	[dreg:$0x4] =	wrdreg $0xC0  }
0xab: {  	_ =	task [dreg:s6], $0x5FFFF  }
0xac: {  	[dreg:$0x1] =	wrdreg $0xFFFFFFFF  }
0xad: {  	[dreg:$0x0] =	wrdreg $0x60  }
0xae: {  	[dreg:$0x2] =	wrdreg s24  }
0xaf: {  	[dreg:$0x3] =	wrdreg $0x9  }
0xb0: {  	_ =	task.clear_ibuf [dreg:s6], $0x4FFFF;
	_ =	strace $0x90000046  }
0xb1: {  	s29 =	simm.s32 $0x9;
	_ =	strace $0x80000048  }
0xb2: {  	_ =	swait.ge [sflag:s29], $0x1  }
0xb3: {  	[sflag:s29] =	ssyncadd.s32 $0xFFFFFFFF  }
0xb4: {  	_ =	strace $0x90000048  }
0xb5: {  	_ =	sfence  }
0xb6: {  	s30 =	sld [smem:$0x0];
	_ =	sdelay $0x2  }
0xb7: {  	s31 =	sshll.u32 s1, $0xD;
	s1 =	sshrl.u32 s1, $0x2  }
0xb8: {  	s3 =	sand.u32 $0x4000, s31;
	s1 =	sadd.s32 s1, s30  }
0xb9: {  	s0 =	sor.u32 s3, s0;
	s1 =	sshll.u32 s1, $0x11  }
0xba: {  	s0 =	sor.u32 s1, s0  }
0xbb: {  	s0 =	sadd.s32 $0x8F2B, s0  }
0xbc: {  	[sflag:s0] =	ssyncadd.remote.s32 $0x1  }
0xbd: {  	_ =	sfence.sel $0xFFFF  }
0xbe: {  	[dreg:$0x0] =	wrdreg $0xFFFFFFFF;
	(pc) =	sbr.abs _section_cstart, $3  }
0xbf: {  	[dreg:$0x1] =	wrdreg $0xFFFFFFFF  }
0xc0: {  	_ =	task.clear_ibuf [dreg:s6], $0x2FFFF;
	_ =	strace $0x9FFFFFFF  }
0xc1: {  	(tm) =	ssettm $0x7FFFFFFF  }
tec
execute0_lowered:
.L_overlay_start_1:
0x0: {  	(tag) =	ssettag $0x1  }
0x1: {  	s4 =	stileid.u32  }
0x2: {  	s0 =	srdreg.scid;
	s5 =	rddreg [dreg:$0x0]  }
0x3: {  	s2 =	simm.s32 $0x0;
	s10 =	simm.s32 $0x2;
	s11 =	simm.s32 $0x80  }
0x4: {  	s12 =	simm.s32 $0x400;
	s21 =	simm.s32 $0xC00;
	s14 =	simm.s32 $0x100  }
0x5: {  	s17 =	simm.s32 $0x1400;
	s16 =	simm.s32 $0x180;
	s23 =	simm.s32 $0x1C00  }
0x6: {  	s18 =	simm.s32 $0x200;
	s20 =	simm.s32 $0x280;
	s29 =	simm.s32 $0x2C00  }
0x7: {  	s22 =	simm.s32 $0x300;
	s30 =	simm.s32 $0x3400;
	s31 =	simm.s32 $0x3C00  }
0x8: {  	s28 =	simm.s32 $0x4400;
	s19 =	simm.s32 $0x0;
	s0 =	sand.u32 $0x1, s0  }
0x9: {  	s1 =	smul.u32 $0x6800, s4;
	[smem:$0x7FF] =	sst s2;
	s24 =	sshll.u32 s4, $0xC  }
0xa: {  	s7 =	sshll.u32 s4, $0x10;
	s4 =	sadd.s32 $0xE800, s5;
	s3 =	smul.u32 $0x3400, s0  }
0xb: {  	_ =	strace $0x80000047;
	s6 =	sadd.s32 s24, s5;
	s8 =	ssub.s32 $0x2, s0  }
0xc: {  	s26 =	sshll.u32 s0, $0xF;
	s0 =	sshll.u32 s0, $0xB;
	s24 =	simm.s32 $0x380  }
0xd: {  	s25 =	sshrl.u32 s8, $0x1;
	s0 =	sadd.s32 s0, s6;
	s1 =	sadd.s32 s3, s1  }
0xe: {  	s6 =	simm.s32 $0x4780;
	s3 =	sadd.s32 $0xF83C00, s5;
	s1 =	sshrl.u32 s1, $0x3  }
0xf: {  	s1 =	sadd.s32 s1, s5;
	s5 =	sadd.s32 s7, s5;
	s7 =	ssub.s32 s8, s25  }
0x10: {  	s25 =	simm.s32 $0x2400;
	s7 =	smax.u32 s7, $0x1;
	s5 =	sadd.s32 s26, s5  }
0x11: {  	s8 =	sadd.s32 $0x2D200, s1;
	s9 =	sadd.s32 $0x1800, s1;
	s26 =	simm.s32 $0x1  }
0x12: {  	[dreg:$0x2] =	wrdreg s7;
	s5 =	sadd.s32 $0x51800, s5;
	s7 =	sadd.s32 $0x41800, s0  }
0x13: {  	s0 =	simm.s32 $0x4680;
	[dreg:$0x3] =	wrdreg s5;
	s5 =	simm.s32 $0x4700  }
.LBB2_1:
0x14: {  	[dreg:$0x4] =	wrdreg s19;
	s13 =	sadd.s32 $0x0, s7  }
0x15: {  	[tilespmem:s2], [sflag:$0x2] =	stream.linear.gather [hbm4b:s13+s2], $0x400, $0x38;
	[tilespmem:$0x4800] =	vst v63  }
0x16: {  	_ =	swait.ge [sflag:s10], $0x400  }
0x17: {  	[sflag:s10] =	ssyncset.done $0x0  }
0x18: {  	[sflag:s10] =	ssyncadd.s32 $0xFFFFFC00  }
0x19: {  	[tilespmem:s12], [sflag:$0x1] =	stream.indirect.gather [hbm4b:s3+s11], $0x10, s2, s11, $0xb8;
	[tilespmem:$0x4800] =	vst v63  }
0x1a: {  	_ = 	snop  }
0x1b: {  	[tilespmem:s21], [sflag:$0x1] =	stream.indirect.gather [hbm4b:s3+s11], $0x10, s11, s11, $0xb8;
	[tilespmem:$0x4800] =	vst v63  }
0x1c: {  	_ = 	snop  }
0x1d: {  	[tilespmem:s17], [sflag:$0x1] =	stream.indirect.gather [hbm4b:s3+s11], $0x10, s14, s11, $0xb8;
	[tilespmem:$0x4800] =	vst v63  }
0x1e: {  	_ = 	snop  }
0x1f: {  	[tilespmem:s23], [sflag:$0x1] =	stream.indirect.gather [hbm4b:s3+s11], $0x10, s16, s11, $0xb8;
	[tilespmem:$0x4800] =	vst v63  }
0x20: {  	_ = 	snop  }
0x21: {  	[tilespmem:s25], [sflag:$0x1] =	stream.indirect.gather [hbm4b:s3+s11], $0x10, s18, s11, $0xb8;
	[tilespmem:$0x4800] =	vst v63  }
0x22: {  	_ = 	snop  }
0x23: {  	[tilespmem:s29], [sflag:$0x1] =	stream.indirect.gather [hbm4b:s3+s11], $0x10, s20, s11, $0xb8;
	[tilespmem:$0x4800] =	vst v63  }
0x24: {  	_ = 	snop  }
0x25: {  	[tilespmem:s30], [sflag:$0x1] =	stream.indirect.gather [hbm4b:s3+s11], $0x10, s22, s11, $0xb8;
	[tilespmem:$0x4800] =	vst v63  }
0x26: {  	_ = 	snop  }
0x27: {  	[tilespmem:s31], [sflag:$0x1] =	stream.indirect.gather [hbm4b:s3+s11], $0x10, s24, s11, $0xb8;
	[tilespmem:$0x4800] =	vst v63  }
0x28: {  	_ =	swait.ge [sflag:s26], $0x800  }
0x29: {  	[sflag:s26] =	ssyncset.done $0x0  }
0x2a: {  	[sflag:s26] =	ssyncadd.s32 $0xFFFFF800  }
0x2b: {  	_ =	swait.ge [sflag:s26], $0x800  }
0x2c: {  	[sflag:s26] =	ssyncset.done $0x0  }
0x2d: {  	[sflag:s26] =	ssyncadd.s32 $0xFFFFF800  }
0x2e: {  	_ =	swait.ge [sflag:s26], $0x800  }
0x2f: {  	[sflag:s26] =	ssyncset.done $0x0  }
0x30: {  	[sflag:s26] =	ssyncadd.s32 $0xFFFFF800  }
0x31: {  	_ =	swait.ge [sflag:s26], $0x800  }
0x32: {  	[sflag:s26] =	ssyncset.done $0x0  }
0x33: {  	[sflag:s26] =	ssyncadd.s32 $0xFFFFF800  }
0x34: {  	_ =	swait.ge [sflag:s26], $0x800  }
0x35: {  	[sflag:s26] =	ssyncset.done $0x0  }
0x36: {  	[sflag:s26] =	ssyncadd.s32 $0xFFFFF800  }
0x37: {  	_ =	swait.ge [sflag:s26], $0x800  }
0x38: {  	[sflag:s26] =	ssyncset.done $0x0  }
0x39: {  	[sflag:s26] =	ssyncadd.s32 $0xFFFFF800  }
0x3a: {  	_ =	swait.ge [sflag:s26], $0x800  }
0x3b: {  	[sflag:s26] =	ssyncset.done $0x0  }
0x3c: {  	[sflag:s26] =	ssyncadd.s32 $0xFFFFF800  }
0x3d: {  	s19 =	sadd.s32 $0x80, s7;
	s1 =	simm.s32 $0x3C00;
	_ =	swait.ge [sflag:s26], $0x800  }
0x3e: {  	s17 =	simm.s32 $0x100;
	s23 =	simm.s32 $0x1400;
	[sflag:s26] =	ssyncset.done $0x0  }
0x3f: {  	s25 =	simm.s32 $0x1C00;
	s21 =	rddreg [dreg:$0x3];
	[sflag:s26] =	ssyncadd.s32 $0xFFFFF800  }
0x40: {  	[hbm4b:s21+s2] =	stream.linear.scatter [tilespmem:s12], [sflag:$0x2], $0x4000, $0x38;
	[tilespmem:$0x4800] =	vst v63  }
0x41: {  	s29 =	simm.s32 $0x2400;
	s30 =	simm.s32 $0x2C00;
	_ =	swait.ge [sflag:s10], $0x4000  }
0x42: {  	s31 =	simm.s32 $0x3400;
	s13 =	sadd.s32 $0x800, s21;
	[sflag:s10] =	ssyncset.done $0x0  }
.LBB2_2:
0x43: {  	s21 =	sadd.s32 s17, s7;
	s15 =	simm.s32 $0x0;
	[sflag:s10] =	ssyncadd.s32 $0xFFFFC000  }
0x44: {  	[tilespmem:s15], [sflag:$0x2] =	stream.linear.gather [hbm4b:s19+s15], $0x400, $0x38;
	[tilespmem:$0x4800] =	vst v63  }
0x45: {  	p0 =	sne.s32 s17, $0x780;
	s17 =	sadd.s32 $0x80, s17;
	_ =	swait.ge [sflag:s10], $0x400  }
0x46: {  	s19 =	smov.u32 s21;
	s21 =	simm.s32 $0xC00;
	[sflag:s10] =	ssyncset.done $0x0  }
0x47: {  	[sflag:s10] =	ssyncadd.s32 $0xFFFFFC00  }
0x48: {  	[tilespmem:s12], [sflag:$0x1] =	stream.indirect.gather [hbm4b:s3+s11], $0x10, s15, s11, $0xb8;
	[tilespmem:$0x4800] =	vst v63  }
0x49: {  	_ = 	snop  }
0x4a: {  	[tilespmem:s21], [sflag:$0x1] =	stream.indirect.gather [hbm4b:s3+s11], $0x10, s11, s11, $0xb8;
	[tilespmem:$0x4800] =	vst v63  }
0x4b: {  	_ = 	snop  }
0x4c: {  	[tilespmem:s23], [sflag:$0x1] =	stream.indirect.gather [hbm4b:s3+s11], $0x10, s14, s11, $0xb8;
	[tilespmem:$0x4800] =	vst v63  }
0x4d: {  	_ = 	snop  }
0x4e: {  	[tilespmem:s25], [sflag:$0x1] =	stream.indirect.gather [hbm4b:s3+s11], $0x10, s16, s11, $0xb8;
	[tilespmem:$0x4800] =	vst v63  }
0x4f: {  	_ = 	snop  }
0x50: {  	[tilespmem:s29], [sflag:$0x1] =	stream.indirect.gather [hbm4b:s3+s11], $0x10, s18, s11, $0xb8;
	[tilespmem:$0x4800] =	vst v63  }
0x51: {  	_ = 	snop  }
0x52: {  	[tilespmem:s30], [sflag:$0x1] =	stream.indirect.gather [hbm4b:s3+s11], $0x10, s20, s11, $0xb8;
	[tilespmem:$0x4800] =	vst v63  }
0x53: {  	_ = 	snop  }
0x54: {  	[tilespmem:s31], [sflag:$0x1] =	stream.indirect.gather [hbm4b:s3+s11], $0x10, s22, s11, $0xb8;
	[tilespmem:$0x4800] =	vst v63  }
0x55: {  	_ = 	snop  }
0x56: {  	[tilespmem:s1], [sflag:$0x1] =	stream.indirect.gather [hbm4b:s3+s11], $0x10, s24, s11, $0xb8;
	[tilespmem:$0x4800] =	vst v63  }
0x57: {  	_ =	swait.ge [sflag:s26], $0x800  }
0x58: {  	[sflag:s26] =	ssyncset.done $0x0  }
0x59: {  	[sflag:s26] =	ssyncadd.s32 $0xFFFFF800  }
0x5a: {  	_ =	swait.ge [sflag:s26], $0x800  }
0x5b: {  	[sflag:s26] =	ssyncset.done $0x0  }
0x5c: {  	[sflag:s26] =	ssyncadd.s32 $0xFFFFF800  }
0x5d: {  	_ =	swait.ge [sflag:s26], $0x800  }
0x5e: {  	[sflag:s26] =	ssyncset.done $0x0  }
0x5f: {  	[sflag:s26] =	ssyncadd.s32 $0xFFFFF800  }
0x60: {  	_ =	swait.ge [sflag:s26], $0x800  }
0x61: {  	[sflag:s26] =	ssyncset.done $0x0  }
0x62: {  	[sflag:s26] =	ssyncadd.s32 $0xFFFFF800  }
0x63: {  	_ =	swait.ge [sflag:s26], $0x800  }
0x64: {  	[sflag:s26] =	ssyncset.done $0x0  }
0x65: {  	[sflag:s26] =	ssyncadd.s32 $0xFFFFF800  }
0x66: {  	_ =	swait.ge [sflag:s26], $0x800  }
0x67: {  	[sflag:s26] =	ssyncset.done $0x0  }
0x68: {  	[sflag:s26] =	ssyncadd.s32 $0xFFFFF800  }
0x69: {  	_ =	swait.ge [sflag:s26], $0x800  }
0x6a: {  	[sflag:s26] =	ssyncset.done $0x0  }
0x6b: {  	[sflag:s26] =	ssyncadd.s32 $0xFFFFF800  }
0x6c: {  	_ =	swait.ge [sflag:s26], $0x800  }
.Ltmp0:
0x6d: {  	[sflag:s26] =	ssyncset.done $0x0;
	(pc) =	sbr.rel @p0 .LBB2_2-.Ltmp0, $4  }
0x6e: {  	[sflag:s26] =	ssyncadd.s32 $0xFFFFF800  }
0x6f: {  	[hbm4b:s13+s15] =	stream.linear.scatter [tilespmem:s12], [sflag:$0x2], $0x4000, $0x38;
	[tilespmem:$0x4800] =	vst v63  }
0x70: {  	_ =	swait.ge [sflag:s10], $0x4000  }
0x71: {  	s13 =	sadd.s32 $0x800, s13;
	[sflag:s10] =	ssyncset.done $0x0  }
0x72: {  	[sflag:s10] =	ssyncadd.s32 $0xFFFFC000  }
0x73: {  	[tilespmem:s15], [sflag:$0x2] =	stream.linear.gather [hbm4b:s19+s15], $0x400, $0x38;
	[tilespmem:$0x4800] =	vst v63  }
0x74: {  	_ =	swait.ge [sflag:s10], $0x400  }
0x75: {  	[sflag:s10] =	ssyncset.done $0x0  }
0x76: {  	[sflag:s10] =	ssyncadd.s32 $0xFFFFFC00  }
0x77: {  	[tilespmem:s12], [sflag:$0x1] =	stream.indirect.gather [hbm4b:s3+s11], $0x10, s15, s11, $0xb8;
	[tilespmem:$0x4800] =	vst v63  }
0x78: {  	_ = 	snop  }
0x79: {  	[tilespmem:s21], [sflag:$0x1] =	stream.indirect.gather [hbm4b:s3+s11], $0x10, s11, s11, $0xb8;
	[tilespmem:$0x4800] =	vst v63  }
0x7a: {  	_ = 	snop  }
0x7b: {  	[tilespmem:s23], [sflag:$0x1] =	stream.indirect.gather [hbm4b:s3+s11], $0x10, s14, s11, $0xb8;
	[tilespmem:$0x4800] =	vst v63  }
0x7c: {  	_ = 	snop  }
0x7d: {  	[tilespmem:s25], [sflag:$0x1] =	stream.indirect.gather [hbm4b:s3+s11], $0x10, s16, s11, $0xb8;
	[tilespmem:$0x4800] =	vst v63  }
0x7e: {  	_ = 	snop  }
0x7f: {  	[tilespmem:s29], [sflag:$0x1] =	stream.indirect.gather [hbm4b:s3+s11], $0x10, s18, s11, $0xb8;
	[tilespmem:$0x4800] =	vst v63  }
0x80: {  	_ = 	snop  }
0x81: {  	[tilespmem:s30], [sflag:$0x1] =	stream.indirect.gather [hbm4b:s3+s11], $0x10, s20, s11, $0xb8;
	[tilespmem:$0x4800] =	vst v63  }
0x82: {  	_ = 	snop  }
0x83: {  	[tilespmem:s31], [sflag:$0x1] =	stream.indirect.gather [hbm4b:s3+s11], $0x10, s22, s11, $0xb8;
	[tilespmem:$0x4800] =	vst v63  }
0x84: {  	_ = 	snop  }
0x85: {  	[tilespmem:s1], [sflag:$0x1] =	stream.indirect.gather [hbm4b:s3+s11], $0x10, s24, s11, $0xb8;
	[tilespmem:$0x4800] =	vst v63  }
0x86: {  	_ =	swait.ge [sflag:s26], $0x800  }
0x87: {  	[sflag:s26] =	ssyncset.done $0x0  }
0x88: {  	[sflag:s26] =	ssyncadd.s32 $0xFFFFF800  }
0x89: {  	_ =	swait.ge [sflag:s26], $0x800  }
0x8a: {  	[sflag:s26] =	ssyncset.done $0x0  }
0x8b: {  	[sflag:s26] =	ssyncadd.s32 $0xFFFFF800  }
0x8c: {  	_ =	swait.ge [sflag:s26], $0x800  }
0x8d: {  	[sflag:s26] =	ssyncset.done $0x0  }
0x8e: {  	[sflag:s26] =	ssyncadd.s32 $0xFFFFF800  }
0x8f: {  	_ =	swait.ge [sflag:s26], $0x800  }
0x90: {  	[sflag:s26] =	ssyncset.done $0x0  }
0x91: {  	[sflag:s26] =	ssyncadd.s32 $0xFFFFF800  }
0x92: {  	_ =	swait.ge [sflag:s26], $0x800  }
0x93: {  	[sflag:s26] =	ssyncset.done $0x0  }
0x94: {  	[sflag:s26] =	ssyncadd.s32 $0xFFFFF800  }
0x95: {  	_ =	swait.ge [sflag:s26], $0x800  }
0x96: {  	[sflag:s26] =	ssyncset.done $0x0  }
0x97: {  	[sflag:s26] =	ssyncadd.s32 $0xFFFFF800  }
0x98: {  	_ =	swait.ge [sflag:s26], $0x800  }
0x99: {  	[sflag:s26] =	ssyncset.done $0x0  }
0x9a: {  	[sflag:s26] =	ssyncadd.s32 $0xFFFFF800  }
0x9b: {  	p1 =	por $0x1, $0x1;
	p0 =	por $0x0, $0x0;
	_ =	swait.ge [sflag:s26], $0x800  }
0x9c: {  	s17 =	simm.s32 $0x1400;
	s23 =	simm.s32 $0x1C00;
	[sflag:s26] =	ssyncset.done $0x0  }
.Ltmp1:
0x9d: {  	s25 =	simm.s32 $0x2400;
	[sflag:s26] =	ssyncadd.s32 $0xFFFFF800;
	(pc) =	sbr.rel @!p1 .LBB2_8-.Ltmp1, $4  }
0x9e: {  	[hbm4b:s13+s15] =	stream.linear.scatter [tilespmem:s12], [sflag:$0x2], $0x4000, $0x38;
	[tilespmem:$0x4800] =	vst v63  }
0x9f: {  	s29 =	simm.s32 $0x2C00;
	s30 =	simm.s32 $0x3400;
	_ =	swait.ge [sflag:s10], $0x4000  }
0xa0: {  	s31 =	simm.s32 $0x3C00;
	s1 =	simm.s32 $0x4480;
	[sflag:s10] =	ssyncset.done $0x0  }
0xa1: {  	s13 =	simm.s32 $0x80;
	s19 =	rddreg [dreg:$0x4];
	[sflag:s10] =	ssyncadd.s32 $0xFFFFC000  }
0xa2: {  	s15 =	sadd.s32 $0x0, s9  }
0xa3: {  	[tilespmem:s2], [sflag:$0x2] =	stream.linear.gather [hbm4b:s15+s2], $0x400, $0x38;
	[tilespmem:$0x4800] =	vst v63  }
0xa4: {  	_ =	swait.ge [sflag:s10], $0x400  }
0xa5: {  	[sflag:s10] =	ssyncset.done $0x0  }
0xa6: {  	[sflag:s10] =	ssyncadd.s32 $0xFFFFFC00  }
0xa7: {  	[tilespmem:s28], [sflag:$0x1] =	stream.indirect.gather [hbm4b:s4+s11], $0x1, s2, s11, $0xb8;
	[tilespmem:$0x4800] =	vst v63  }
0xa8: {  	_ = 	snop  }
0xa9: {  	[tilespmem:s1], [sflag:$0x1] =	stream.indirect.gather [hbm4b:s4+s11], $0x1, s11, s11, $0xb8;
	[tilespmem:$0x4800] =	vst v63  }
0xaa: {  	s23 =	simm.s32 $0x4500  }
0xab: {  	[tilespmem:s23], [sflag:$0x1] =	stream.indirect.gather [hbm4b:s4+s11], $0x1, s14, s11, $0xb8;
	[tilespmem:$0x4800] =	vst v63  }
0xac: {  	s25 =	simm.s32 $0x4580  }
0xad: {  	[tilespmem:s25], [sflag:$0x1] =	stream.indirect.gather [hbm4b:s4+s11], $0x1, s16, s11, $0xb8;
	[tilespmem:$0x4800] =	vst v63  }
0xae: {  	s29 =	simm.s32 $0x4600  }
0xaf: {  	[tilespmem:s29], [sflag:$0x1] =	stream.indirect.gather [hbm4b:s4+s11], $0x1, s18, s11, $0xb8;
	[tilespmem:$0x4800] =	vst v63  }
0xb0: {  	_ = 	snop  }
0xb1: {  	[tilespmem:s0], [sflag:$0x1] =	stream.indirect.gather [hbm4b:s4+s11], $0x1, s20, s11, $0xb8;
	[tilespmem:$0x4800] =	vst v63  }
0xb2: {  	_ = 	snop  }
0xb3: {  	[tilespmem:s5], [sflag:$0x1] =	stream.indirect.gather [hbm4b:s4+s11], $0x1, s22, s11, $0xb8;
	[tilespmem:$0x4800] =	vst v63  }
0xb4: {  	_ = 	snop  }
0xb5: {  	[tilespmem:s6], [sflag:$0x1] =	stream.indirect.gather [hbm4b:s4+s11], $0x1, s24, s11, $0xb8;
	[tilespmem:$0x4800] =	vst v63  }
0xb6: {  	_ =	swait.ge [sflag:s26], $0x80  }
0xb7: {  	[sflag:s26] =	ssyncset.done $0x0  }
0xb8: {  	[sflag:s26] =	ssyncadd.s32 $0xFFFFFF80  }
0xb9: {  	_ =	swait.ge [sflag:s26], $0x80  }
0xba: {  	[sflag:s26] =	ssyncset.done $0x0  }
0xbb: {  	[sflag:s26] =	ssyncadd.s32 $0xFFFFFF80  }
0xbc: {  	_ =	swait.ge [sflag:s26], $0x80  }
0xbd: {  	[sflag:s26] =	ssyncset.done $0x0  }
0xbe: {  	[sflag:s26] =	ssyncadd.s32 $0xFFFFFF80  }
0xbf: {  	_ =	swait.ge [sflag:s26], $0x80  }
0xc0: {  	[sflag:s26] =	ssyncset.done $0x0  }
0xc1: {  	[sflag:s26] =	ssyncadd.s32 $0xFFFFFF80  }
0xc2: {  	_ =	swait.ge [sflag:s26], $0x80  }
0xc3: {  	[sflag:s26] =	ssyncset.done $0x0  }
0xc4: {  	[sflag:s26] =	ssyncadd.s32 $0xFFFFFF80  }
0xc5: {  	_ =	swait.ge [sflag:s26], $0x80  }
0xc6: {  	[sflag:s26] =	ssyncset.done $0x0  }
0xc7: {  	[sflag:s26] =	ssyncadd.s32 $0xFFFFFF80  }
0xc8: {  	_ =	swait.ge [sflag:s26], $0x80  }
0xc9: {  	[sflag:s26] =	ssyncset.done $0x0  }
0xca: {  	[sflag:s26] =	ssyncadd.s32 $0xFFFFFF80  }
0xcb: {  	p1 =	por $0x1, $0x1;
	_ =	swait.ge [sflag:s26], $0x80  }
.Ltmp2:
0xcc: {  	[sflag:s26] =	ssyncset.done $0x0;
	(pc) =	sbr.rel @!p1 .LBB2_5-.Ltmp2, $4  }
0xcd: {  	s21 =	sadd.s32 $0x0, s8;
	[sflag:s26] =	ssyncadd.s32 $0xFFFFFF80  }
0xce: {  	[hbm4b:s21+s2] =	stream.linear.scatter [tilespmem:s28], [sflag:$0x2], $0x400, $0x38;
	[tilespmem:$0x4800] =	vst v63  }
0xcf: {  	_ =	swait.ge [sflag:s10], $0x400  }
0xd0: {  	s19 =	simm.s32 $0x100;
	p0 =	por $0x1, $0x1;
	[sflag:s10] =	ssyncset.done $0x0  }
.LBB2_6:
0xd1: {  	s21 =	sadd.s32 s13, s9  }
0xd2: {  	[sflag:s10] =	ssyncadd.s32 $0xFFFFFC00;
	s17 =	smov.u32 s19;
	s15 =	sadd.s32 $0x80, s19  }
0xd3: {  	[tilespmem:s2], [sflag:$0x2] =	stream.linear.gather [hbm4b:s21+s2], $0x400, $0x38;
	[tilespmem:$0x4800] =	vst v63  }
0xd4: {  	p1 =	sne.s32 s19, $0x600;
	_ =	swait.ge [sflag:s10], $0x400  }
0xd5: {  	[sflag:s10] =	ssyncset.done $0x0  }
0xd6: {  	[sflag:s10] =	ssyncadd.s32 $0xFFFFFC00  }
0xd7: {  	[tilespmem:s28], [sflag:$0x1] =	stream.indirect.gather [hbm4b:s4+s11], $0x1, s2, s11, $0xb8;
	[tilespmem:$0x4800] =	vst v63  }
0xd8: {  	_ = 	snop  }
0xd9: {  	[tilespmem:s1], [sflag:$0x1] =	stream.indirect.gather [hbm4b:s4+s11], $0x1, s11, s11, $0xb8;
	[tilespmem:$0x4800] =	vst v63  }
0xda: {  	_ = 	snop  }
0xdb: {  	[tilespmem:s23], [sflag:$0x1] =	stream.indirect.gather [hbm4b:s4+s11], $0x1, s14, s11, $0xb8;
	[tilespmem:$0x4800] =	vst v63  }
0xdc: {  	_ = 	snop  }
0xdd: {  	[tilespmem:s25], [sflag:$0x1] =	stream.indirect.gather [hbm4b:s4+s11], $0x1, s16, s11, $0xb8;
	[tilespmem:$0x4800] =	vst v63  }
0xde: {  	_ = 	snop  }
0xdf: {  	[tilespmem:s29], [sflag:$0x1] =	stream.indirect.gather [hbm4b:s4+s11], $0x1, s18, s11, $0xb8;
	[tilespmem:$0x4800] =	vst v63  }
0xe0: {  	_ = 	snop  }
0xe1: {  	[tilespmem:s0], [sflag:$0x1] =	stream.indirect.gather [hbm4b:s4+s11], $0x1, s20, s11, $0xb8;
	[tilespmem:$0x4800] =	vst v63  }
0xe2: {  	_ = 	snop  }
0xe3: {  	[tilespmem:s5], [sflag:$0x1] =	stream.indirect.gather [hbm4b:s4+s11], $0x1, s22, s11, $0xb8;
	[tilespmem:$0x4800] =	vst v63  }
0xe4: {  	_ = 	snop  }
0xe5: {  	[tilespmem:s6], [sflag:$0x1] =	stream.indirect.gather [hbm4b:s4+s11], $0x1, s24, s11, $0xb8;
	[tilespmem:$0x4800] =	vst v63  }
0xe6: {  	_ =	swait.ge [sflag:s26], $0x80  }
0xe7: {  	[sflag:s26] =	ssyncset.done $0x0  }
0xe8: {  	[sflag:s26] =	ssyncadd.s32 $0xFFFFFF80  }
0xe9: {  	_ =	swait.ge [sflag:s26], $0x80  }
0xea: {  	[sflag:s26] =	ssyncset.done $0x0  }
0xeb: {  	[sflag:s26] =	ssyncadd.s32 $0xFFFFFF80  }
0xec: {  	_ =	swait.ge [sflag:s26], $0x80  }
0xed: {  	[sflag:s26] =	ssyncset.done $0x0  }
0xee: {  	[sflag:s26] =	ssyncadd.s32 $0xFFFFFF80  }
0xef: {  	_ =	swait.ge [sflag:s26], $0x80  }
0xf0: {  	[sflag:s26] =	ssyncset.done $0x0  }
0xf1: {  	[sflag:s26] =	ssyncadd.s32 $0xFFFFFF80  }
0xf2: {  	_ =	swait.ge [sflag:s26], $0x80  }
0xf3: {  	[sflag:s26] =	ssyncset.done $0x0  }
0xf4: {  	[sflag:s26] =	ssyncadd.s32 $0xFFFFFF80  }
0xf5: {  	_ =	swait.ge [sflag:s26], $0x80  }
0xf6: {  	[sflag:s26] =	ssyncset.done $0x0  }
0xf7: {  	[sflag:s26] =	ssyncadd.s32 $0xFFFFFF80  }
0xf8: {  	_ =	swait.ge [sflag:s26], $0x80  }
0xf9: {  	[sflag:s26] =	ssyncset.done $0x0  }
0xfa: {  	[sflag:s26] =	ssyncadd.s32 $0xFFFFFF80  }
0xfb: {  	_ =	swait.ge [sflag:s26], $0x80  }
.Ltmp3:
0xfc: {  	[sflag:s26] =	ssyncset.done $0x0;
	(pc) =	sbr.rel @p1 .LBB2_6-.Ltmp3, $4  }
0xfd: {  	s19 =	sadd.s32 s13, s8;
	s13 =	smov.u32 s17;
	[sflag:s26] =	ssyncadd.s32 $0xFFFFFF80  }
0xfe: {  	[hbm4b:s19+s2] =	stream.linear.scatter [tilespmem:s28], [sflag:$0x2], $0x400, $0x38;
	[tilespmem:$0x4800] =	vst v63  }
0xff: {  	_ =	swait.ge [sflag:s10], $0x400  }
0x100: {  	s19 =	smov.u32 s15;
	[sflag:s10] =	ssyncset.done $0x0  }
0x101: {  	s15 =	smov.u32 s13  }
0x102: {  	s21 =	simm.s32 $0xC00;
	s17 =	simm.s32 $0x1400;
	s19 =	rddreg [dreg:$0x4]  }
0x103: {  	s23 =	simm.s32 $0x1C00;
	s25 =	simm.s32 $0x2400;
	s29 =	simm.s32 $0x2C00  }
.LBB2_8:
0x104: {  	s13 =	sadd.s32 s15, s9;
	[sflag:s10] =	ssyncadd.s32 @p0 $0xFFFFFC00  }
0x105: {  	[tilespmem:s2], [sflag:$0x2] =	stream.linear.gather [hbm4b:s13+s2], $0x400, $0x38;
	[tilespmem:$0x4800] =	vst v63  }
0x106: {  	_ =	swait.ge [sflag:s10], $0x400  }
0x107: {  	[sflag:s10] =	ssyncset.done $0x0  }
0x108: {  	[sflag:s10] =	ssyncadd.s32 $0xFFFFFC00  }
0x109: {  	[tilespmem:s28], [sflag:$0x1] =	stream.indirect.gather [hbm4b:s4+s11], $0x1, s2, s11, $0xb8;
	[tilespmem:$0x4800] =	vst v63  }
0x10a: {  	_ = 	snop  }
0x10b: {  	[tilespmem:s1], [sflag:$0x1] =	stream.indirect.gather [hbm4b:s4+s11], $0x1, s11, s11, $0xb8;
	[tilespmem:$0x4800] =	vst v63  }
0x10c: {  	s13 =	simm.s32 $0x4500  }
0x10d: {  	[tilespmem:s13], [sflag:$0x1] =	stream.indirect.gather [hbm4b:s4+s11], $0x1, s14, s11, $0xb8;
	[tilespmem:$0x4800] =	vst v63  }
0x10e: {  	s13 =	simm.s32 $0x4580  }
0x10f: {  	[tilespmem:s13], [sflag:$0x1] =	stream.indirect.gather [hbm4b:s4+s11], $0x1, s16, s11, $0xb8;
	[tilespmem:$0x4800] =	vst v63  }
0x110: {  	s13 =	simm.s32 $0x4600  }
0x111: {  	[tilespmem:s13], [sflag:$0x1] =	stream.indirect.gather [hbm4b:s4+s11], $0x1, s18, s11, $0xb8;
	[tilespmem:$0x4800] =	vst v63  }
0x112: {  	_ = 	snop  }
0x113: {  	[tilespmem:s0], [sflag:$0x1] =	stream.indirect.gather [hbm4b:s4+s11], $0x1, s20, s11, $0xb8;
	[tilespmem:$0x4800] =	vst v63  }
0x114: {  	_ = 	snop  }
0x115: {  	[tilespmem:s5], [sflag:$0x1] =	stream.indirect.gather [hbm4b:s4+s11], $0x1, s22, s11, $0xb8;
	[tilespmem:$0x4800] =	vst v63  }
0x116: {  	_ = 	snop  }
0x117: {  	[tilespmem:s6], [sflag:$0x1] =	stream.indirect.gather [hbm4b:s4+s11], $0x1, s24, s11, $0xb8;
	[tilespmem:$0x4800] =	vst v63  }
0x118: {  	_ =	swait.ge [sflag:s26], $0x80  }
0x119: {  	[sflag:s26] =	ssyncset.done $0x0  }
0x11a: {  	[sflag:s26] =	ssyncadd.s32 $0xFFFFFF80  }
0x11b: {  	_ =	swait.ge [sflag:s26], $0x80  }
0x11c: {  	[sflag:s26] =	ssyncset.done $0x0  }
0x11d: {  	[sflag:s26] =	ssyncadd.s32 $0xFFFFFF80  }
0x11e: {  	_ =	swait.ge [sflag:s26], $0x80  }
0x11f: {  	[sflag:s26] =	ssyncset.done $0x0  }
0x120: {  	[sflag:s26] =	ssyncadd.s32 $0xFFFFFF80  }
0x121: {  	_ =	swait.ge [sflag:s26], $0x80  }
0x122: {  	[sflag:s26] =	ssyncset.done $0x0  }
0x123: {  	[sflag:s26] =	ssyncadd.s32 $0xFFFFFF80  }
0x124: {  	_ =	swait.ge [sflag:s26], $0x80  }
0x125: {  	[sflag:s26] =	ssyncset.done $0x0  }
0x126: {  	[sflag:s26] =	ssyncadd.s32 $0xFFFFFF80  }
0x127: {  	_ =	swait.ge [sflag:s26], $0x80  }
0x128: {  	[sflag:s26] =	ssyncset.done $0x0  }
0x129: {  	[sflag:s26] =	ssyncadd.s32 $0xFFFFFF80  }
0x12a: {  	_ =	swait.ge [sflag:s26], $0x80  }
0x12b: {  	[sflag:s26] =	ssyncset.done $0x0  }
0x12c: {  	[sflag:s26] =	ssyncadd.s32 $0xFFFFFF80  }
0x12d: {  	_ =	swait.ge [sflag:s26], $0x80  }
0x12e: {  	[sflag:s26] =	ssyncset.done $0x0  }
0x12f: {  	s1 =	sadd.s32 s15, s8;
	[sflag:s26] =	ssyncadd.s32 $0xFFFFFF80  }
0x130: {  	[hbm4b:s1+s2] =	stream.linear.scatter [tilespmem:s28], [sflag:$0x2], $0x400, $0x38;
	[tilespmem:$0x4800] =	vst v63  }
0x131: {  	_ =	swait.ge [sflag:s10], $0x400  }
0x132: {  	s19 =	sadd.s32 $0x1, s19;
	s15 =	rddreg [dreg:$0x2]  }
0x133: {  	p0 =	sne.s32 s19, s15  }
.Ltmp4:
0x134: {  	_ = 	snop;
	(pc) =	sbr.rel @p0 .LBB2_1-.Ltmp4, $4  }
.Ltmp5:
0x135: {  	_ = 	snop;
	(pc) =	sbr.rel @!p0 .LBB2_9-.Ltmp5, $4  }
0x136: {  	_ = 	snop  }
0x137: {  	[sflag:s10] =	ssyncset.done $0x0  }
0x138: {  	[sflag:s10] =	ssyncadd.s32 $0xFFFFFC00  }
0x139: {  	_ = 	snop  }
.LBB2_5:
.Ltmp6:
0x13a: {  	(pc) =	sbr.rel .LBB2_8-.Ltmp6, $4  }
0x13b: {  	_ = 	snop  }
0x13c: {  	s15 =	simm.s32 $0x80  }
0x13d: {  	s21 =	simm.s32 $0xC00;
	s17 =	simm.s32 $0x1400;
	s19 =	rddreg [dreg:$0x4]  }
0x13e: {  	s23 =	simm.s32 $0x1C00;
	s25 =	simm.s32 $0x2400;
	s29 =	simm.s32 $0x2C00  }
.LBB2_9:
0x13f: {  	_ =	sfence.sel $0x180000  }
0x140: {  	[bflag:$0x0] =	sbarrier.arrive $0xFFFF  }
0x141: {  	_ =	strace $0x90000047  }
0x142: {  	s0 =	stileid.u32;
	[bflag:$0x2] =	sbarrier.arrive $0xFFFF  }
0x143: {  	p0 =	sne.s32 s0, $0x0;
	s0 =	rddreg [dreg:$0x1]  }
0x144: {  	s0 =	sadd.s32 @!p0 $0x100000, s0  }
0x145: {  	[sflag:s0] =	ssyncadd.tile.s32 @!p0 $0x1;
	_ =	shalt  }
.Lfunc_end2:
_tile_overlayer_lowered:
.L_overlay_start_2:
0x146: {  	(tag) =	ssettag $0x2  }
0x147: {  	s0 =	rddreg [dreg:$0x0];
	s2 =	stileid.u32  }
0x148: {  	s1 =	rddreg [dreg:$0x1];
	p0 =	sne.s32 s2, $0x0  }
0x149: {  	s3 =	rddreg [dreg:$0x2];
	[bflag:$0x3] =	sbarrier.arrive $0xFFFF;
	s2 =	simm.s32 @!p0 $0x1C02  }
0x14a: {  	[timem:s3], [sflag:s2] =	dma.local @!p0 [hbm:s0], s1  }
0x14b: {  	s0 =	simm.s32 @!p0 $0x2  }
0x14c: {  	_ =	swait.ge @!p0 [sflag:s0], s1  }
0x14d: {  	s1 =	ssub.s32 @!p0 $0x0, s1;
	[sflag:s0] =	ssyncset.done @!p0 $0x0  }
0x14e: {  	[sflag:s0] =	ssyncadd.s32 @!p0 s1  }
0x14f: {  	[bflag:$0x3] =	sbarrier.arrive $0xFFFF  }
0x150: {  	_ =	shalt  }

</sc_bundles>
